<compile_context>
chip_gen: v7x
topology: tpu7x:2x2x1
jax: 0.10.2.dev20260603
libtpu: 0.0.44.dev20260713+nightly
codegen_flags: <defaults>
</compile_context>

<pallas_src>
import functools

import jax
import jax.numpy as jnp
from jax import lax
from jax.experimental import pallas as pl
from jax.experimental.pallas import tpu as pltpu
from jax.experimental.pallas import tpu_sc as plsc

N = 128
C = 151
R = 51
K = 5
ROUNDS = 3
M = N * K
UROW = C * N
NW = 32
PPW = M // NW
LANES = 16


def _topk_body(roi_ref, sc_ref, lb_ref, gx_ref):
    x = roi_ref[...]
    colc = lax.broadcasted_iota(jnp.int32, (N, C), 1)
    rowj = lax.broadcasted_iota(jnp.int32, (N, 1), 0)
    for a in range(K):
        m = jnp.max(x, axis=1, keepdims=True)
        am = jnp.min(jnp.where(x == m, colc, C), axis=1, keepdims=True)
        sc_ref[:, a:a + 1] = m
        lb_ref[:, a:a + 1] = am
        gx_ref[:, a:a + 1] = am * N + rowj
        x = jnp.where(colc == am, -jnp.inf, x)


_topk_call = pl.pallas_call(
    _topk_body,
    out_shape=(
        jax.ShapeDtypeStruct((N, K), jnp.float32),
        jax.ShapeDtypeStruct((N, K), jnp.int32),
        jax.ShapeDtypeStruct((N, K), jnp.int32),
    ),
)


IB = 4


def _u_body(lab_ref, *refs):
    del lab_ref
    rms = refs[:IB * K]
    rel_ref = refs[IB * K]
    u_ref = refs[IB * K + 1]
    for ii in range(IB):
        relx = jnp.exp(rel_ref[ii * N:(ii + 1) * N, :])
        for a in range(K):
            blk = rms[ii * K + a][0]
            u = lax.dot_general(blk, relx, (((1,), (1,)), ((), ())),
                                precision=lax.Precision.HIGHEST,
                                preferred_element_type=jnp.float32)
            u_ref[ii, a] = u


def _rm_spec(slot):
    return pl.BlockSpec(
        (1, C, R), lambda g, lab, _s=slot: (lab[g * (IB * K) + _s], 0, 0))


_u_call = pl.pallas_call(
    _u_body,
    grid_spec=pltpu.PrefetchScalarGridSpec(
        num_scalar_prefetch=1,
        grid=(N // IB,),
        in_specs=[_rm_spec(s) for s in range(IB * K)] + [
            pl.BlockSpec((IB * N, R), lambda g, lab: (g, 0)),
        ],
        out_specs=pl.BlockSpec((IB, K, C, N), lambda g, lab: (g, 0, 0, 0)),
    ),
    out_shape=jax.ShapeDtypeStruct((N, K, C, N), jnp.float32),
)


def _sc_body(u_hbm, gidx_hbm, out_hbm, gidx_v, u0, u1, gall, semA, semB):
    c = lax.axis_index("c")
    s = lax.axis_index("s")
    wid = s * 2 + c
    base = wid * PPW
    pltpu.sync_copy(gidx_hbm, gidx_v)
    pltpu.async_copy(u_hbm.at[base], u0, semA)

    def gather_pair(t, ubuf):
        def chunk(k2, _):
            idxv = gidx_v[pl.ds(k2 * LANES, LANES)]
            vals = plsc.load_gather(ubuf, [idxv])
            gall[pl.ds(t * M + k2 * LANES, LANES)] = vals
            return 0
        lax.fori_loop(0, M // LANES, chunk, 0, unroll=4)

    def body(g, _):
        t0 = 2 * g
        pltpu.async_copy(u_hbm.at[base + t0 + 1], u1, semB)
        pltpu.make_async_copy(u_hbm.at[base + t0], u0, semA).wait()
        gather_pair(t0, u0)
        nxt = lax.rem(t0 + 2, PPW)
        pltpu.async_copy(u_hbm.at[base + nxt], u0, semA)
        pltpu.make_async_copy(u_hbm.at[base + t0 + 1], u1, semB).wait()
        gather_pair(t0 + 1, u1)
        return 0

    lax.fori_loop(0, PPW // 2, body, 0)
    pltpu.make_async_copy(u_hbm.at[base], u0, semA).wait()
    pltpu.sync_copy(gall, out_hbm.at[pl.ds(wid * (PPW * M), PPW * M)])


@functools.cache
def _sc_call():
    return pl.kernel(
        _sc_body,
        out_type=jax.ShapeDtypeStruct((M * M,), jnp.float32),
        mesh=plsc.VectorSubcoreMesh(core_axis_name="c", subcore_axis_name="s"),
        scratch_types=[
            pltpu.VMEM((M,), jnp.int32),
            pltpu.VMEM((UROW,), jnp.float32),
            pltpu.VMEM((UROW,), jnp.float32),
            pltpu.VMEM((PPW * M,), jnp.float32),
            pltpu.SemaphoreType.DMA,
            pltpu.SemaphoreType.DMA,
        ],
        compiler_params=pltpu.CompilerParams(needs_layout_passes=False),
    )


def _out_body(q_ref, lb_ref, roi_ref, out_ref):
    colc = lax.broadcasted_iota(jnp.int32, (N, C), 1)
    accro = jnp.zeros((N, C), jnp.float32)
    for a in range(K):
        oh = (lb_ref[:, a:a + 1] == colc).astype(jnp.float32)
        accro = accro + q_ref[:, a:a + 1] * oh
    out_ref[...] = (roi_ref[...] + 10000.0 * accro) / 10001.0


_out_call = pl.pallas_call(
    _out_body,
    out_shape=jax.ShapeDtypeStruct((N, C), jnp.float32),
)


def kernel(roi_scores, rel_scores, relationship_mat):
    sc, lb, gx = _topk_call(roi_scores)
    labels_flat = lb.reshape(-1)
    gidx_jb = gx.reshape(-1)
    u = _u_call(labels_flat, *([relationship_mat] * (IB * K)), rel_scores)
    btf = _sc_call()(u.reshape(M, UROW), gidx_jb)
    bt4 = btf.reshape(N, K, N, K)
    bts = (bt4 + jnp.transpose(bt4, (2, 3, 0, 1))) / 2.0
    btl = jnp.log(bts)
    mask = (1.0 - jnp.eye(N, dtype=btl.dtype))[:, None, :, None]
    btl = (btl * mask).reshape(M, M)
    unary = jnp.log(sc)
    q = jax.nn.softmax(jnp.ones_like(sc), axis=1)
    for _ in range(ROUNDS):
        nq = (btl @ q.reshape(-1, 1)).reshape(q.shape) + unary
        q = jax.nn.softmax(nq, axis=1)
    return _out_call(q, lb, roi_scores)

# --- scband reference (transcript-rebuilt; emitter-appended) ---
"""Pipeline reference for scband-rel-infer-27144193310749 (READ-ONLY COPY).

The authoritative reference and input builder live on the scoring server;
editing this copy changes nothing except your own understanding.
"""

import jax, jax.numpy as jnp
import numpy as np

# frozen cfg constants (chosen branch: REL_INFER.TRAIN=False, MODE=1, no GT rel, no binary-normalize)
N = 128          # num boxes
C = 151          # cfg.MODEL.NUM_CLASSES
R = 51           # cfg.MODEL.NUM_RELATIONS
K = 5            # cfg.TEST.REL_INFER_PROPOSAL
ROUNDS = 3       # cfg.TEST.REL_INFER_ROUND
BINARY_WEIGHT = 1.0      # cfg.TEST.REL_INFER_BINARY_WEIGHT
NONE_BGREL_WEIGHT = 1.0  # cfg.REL_INFER.NONE_BGREL_WEIGHT


def setup_inputs(seed: int = 0) -> dict:
    key = jax.random.key(seed)
    k1, k2, k3 = jax.random.split(key, 3)
    roi_scores = jax.random.uniform(k1, (N, C), dtype=jnp.float32)
    rel_scores = jax.random.normal(k2, (N * N, R), dtype=jnp.float32)
    # dense-ified sparse relationship co-occurrence matrix (buffer built in init_rel_mat)
    relationship_mat = (jax.random.uniform(k3, (C, C, R)) > 0.9).astype(jnp.float32)
    relationship_mat = relationship_mat.at[:, :, 0].set(1.0)  # self.relationship_mat[:, :, 0].fill_(1)
    return {"roi_scores": roi_scores, "rel_scores": rel_scores, "relationship_mat": relationship_mat}


def reference(roi_scores, rel_scores, relationship_mat):
    n = roi_scores.shape[0]
    # not cfg.REL_INFER.TRAIN -> exponentiate log-probs
    rel = jnp.exp(rel_scores).reshape(n, n, -1)
    topk_scores, topk_labels = jax.lax.top_k(roi_scores, K)
    Q = jax.nn.softmax(jnp.ones_like(topk_scores), axis=1)  # F.softmax default dim=1 for 2D
    flat = topk_labels.reshape(-1)
    M = flat.shape[0]
    # tmp_index construction: row-major pairs of all topk labels
    i0 = jnp.repeat(flat, M)
    i1 = jnp.tile(flat, M)
    bt = relationship_mat[i0, i1].reshape(n, K, n, K, -1)
    # not cfg.REL_INFER.NO_REL_SCORE
    bt = bt * rel[:, None, :, None, :]
    # MODE != 3 branch
    bt = bt[..., 0] + NONE_BGREL_WEIGHT * jnp.sum(bt[..., 1:], axis=-1)
    bt = (bt + jnp.transpose(bt, (2, 3, 0, 1))) / 2.0
    # not TRAIN -> log
    bt = jnp.log(bt)
    # torch.diagonal(binary_theta, dim1=0, dim2=2).fill_(0)
    mask = (1.0 - jnp.eye(n, dtype=bt.dtype))[:, None, :, None]
    bt = bt * mask
    unary = jnp.log(topk_scores)
    for _ in range(ROUNDS):
        newQ = BINARY_WEIGHT * (bt.reshape(M, M) @ Q.reshape(-1, 1)).reshape(Q.shape)
        newQ = newQ + unary
        Q = jax.nn.softmax(newQ, axis=1)
    new_roi = jnp.zeros_like(roi_scores).at[jnp.arange(n)[:, None], topk_labels].set(Q)
    return (roi_scores + 10000.0 * new_roi) / (1.0 + 10000.0)

if __name__ == "__main__":
    import jax
    _d = setup_inputs()
    print(jax.jit(kernel)(*tuple(_d.values())))

</pallas_src>

<mosaic_0001>
#map = affine_map<(d0, d1) -> (0, 0)>
#map1 = affine_map<(d0, d1) -> (0)>
module attributes {stable_mosaic.version = 14 : i64} {
  func.func @_sc_body(%arg0: i32, %arg1: i32, %arg2: memref<640x19328xf32, #tpu.memory_space<hbm>>, %arg3: memref<640xi32, #tpu.memory_space<hbm>>, %arg4: memref<409600xf32, #tpu.memory_space<hbm>>, %arg5: memref<640xi32, #tpu.memory_space<vmem>>, %arg6: memref<19328xf32, #tpu.memory_space<vmem>>, %arg7: memref<19328xf32, #tpu.memory_space<vmem>>, %arg8: memref<12800xf32, #tpu.memory_space<vmem>>, %arg9: memref<!tpu.dma_semaphore, #tpu.memory_space<semaphore_mem>>, %arg10: memref<!tpu.dma_semaphore, #tpu.memory_space<semaphore_mem>>) attributes {dimension_semantics = [#tpu.dimension_semantics<core_parallel>, #tpu.dimension_semantics<subcore_parallel>], iteration_bounds = array<i64: 2, 16>, scalar_prefetch = 0 : i64, scratch_operands = 6 : i64, tpu.core_type = #tpu.core_type<sc_vector_subcore>, window_params = [{transform_indices = #map}, {transform_indices = #map1}, {transform_indices = #map1}]} {
    %mul3A = arith.constant 2 : i32
    %mul3A_0 = arith.muli %arg1, %mul3A : i32
    %add3A = arith.addi %mul3A_0, %arg0 : i32
    %mul3A_1 = arith.constant 20 : i32
    %mul3A_2 = arith.muli %add3A, %mul3A_1 : i32
    "tpu.region"() ({
      %run_scoped3A = tpu.sem_alloc : memref<!tpu.dma_semaphore, #tpu.memory_space<semaphore_mem>>
      tpu.enqueue_dma source(%arg3 : memref<640xi32, #tpu.memory_space<hbm>>) target(%arg5 : memref<640xi32, #tpu.memory_space<vmem>>) target_semaphore(%run_scoped3A : memref<!tpu.dma_semaphore, #tpu.memory_space<semaphore_mem>>)
      tpu.wait_dma2 semaphore(%run_scoped3A : memref<!tpu.dma_semaphore, #tpu.memory_space<semaphore_mem>>) src(%arg3 : memref<640xi32, #tpu.memory_space<hbm>>) dst(%arg5 : memref<640xi32, #tpu.memory_space<vmem>>)
      tpu.yield
    }) : () -> ()
    %dma_start3A = arith.constant 0 : i32
    %dma_start3A_3 = tpu.memref_slice %arg2[%mul3A_2, %dma_start3A] : memref<640x19328xf32, #tpu.memory_space<hbm>> -> memref<1x19328xf32, #tpu.memory_space<hbm>>
    %dma_start3A_4 = tpu.memref_squeeze %dma_start3A_3 : memref<1x19328xf32, #tpu.memory_space<hbm>> -> memref<19328xf32, #tpu.memory_space<hbm>>
    %dma_start3A_5 = arith.constant 0 : i32
    %dma_start3A_6 = tpu.memref_slice %arg2[%mul3A_2, %dma_start3A_5] : memref<640x19328xf32, #tpu.memory_space<hbm>> -> memref<1x19328xf32, #tpu.memory_space<hbm>>
    %dma_start3A_7 = tpu.memref_squeeze %dma_start3A_6 : memref<1x19328xf32, #tpu.memory_space<hbm>> -> memref<19328xf32, #tpu.memory_space<hbm>>
    tpu.enqueue_dma source(%dma_start3A_7 : memref<19328xf32, #tpu.memory_space<hbm>>) target(%arg6 : memref<19328xf32, #tpu.memory_space<vmem>>) target_semaphore(%arg9 : memref<!tpu.dma_semaphore, #tpu.memory_space<semaphore_mem>>)
    %scan3A = arith.constant 0 : i32
    %scan3A_8 = arith.constant 0 : i32
    %scan3A_9 = arith.constant 10 : i32
    %scan3A_10 = arith.addi %scan3A_8, %scan3A_9 : i32
    %scan3A_11 = arith.constant 1 : i32
    %scan3A_12 = scf.for %scan3A_21 = %scan3A_8 to %scan3A_10 step %scan3A_11 iter_args(%scan3A_22 = %scan3A) -> (i32)  : i32 {
      %mul3A_23 = arith.constant 2 : i32
      %mul3A_24 = arith.muli %mul3A_23, %scan3A_21 : i32
      %add3A_25 = arith.addi %mul3A_2, %mul3A_24 : i32
      %add3A_26 = arith.constant 1 : i32
      %add3A_27 = arith.addi %add3A_25, %add3A_26 : i32
      %dma_start3A_28 = arith.constant 0 : i32
      %dma_start3A_29 = tpu.memref_slice %arg2[%add3A_27, %dma_start3A_28] : memref<640x19328xf32, #tpu.memory_space<hbm>> -> memref<1x19328xf32, #tpu.memory_space<hbm>>
      %dma_start3A_30 = tpu.memref_squeeze %dma_start3A_29 : memref<1x19328xf32, #tpu.memory_space<hbm>> -> memref<19328xf32, #tpu.memory_space<hbm>>
      %dma_start3A_31 = arith.constant 0 : i32
      %dma_start3A_32 = tpu.memref_slice %arg2[%add3A_27, %dma_start3A_31] : memref<640x19328xf32, #tpu.memory_space<hbm>> -> memref<1x19328xf32, #tpu.memory_space<hbm>>
      %dma_start3A_33 = tpu.memref_squeeze %dma_start3A_32 : memref<1x19328xf32, #tpu.memory_space<hbm>> -> memref<19328xf32, #tpu.memory_space<hbm>>
      tpu.enqueue_dma source(%dma_start3A_33 : memref<19328xf32, #tpu.memory_space<hbm>>) target(%arg7 : memref<19328xf32, #tpu.memory_space<vmem>>) target_semaphore(%arg10 : memref<!tpu.dma_semaphore, #tpu.memory_space<semaphore_mem>>)
      %add3A_34 = arith.addi %mul3A_2, %mul3A_24 : i32
      %dma_wait3A_35 = arith.constant 0 : i32
      %dma_wait3A_36 = tpu.memref_slice %arg2[%add3A_34, %dma_wait3A_35] : memref<640x19328xf32, #tpu.memory_space<hbm>> -> memref<1x19328xf32, #tpu.memory_space<hbm>>
      %dma_wait3A_37 = tpu.memref_squeeze %dma_wait3A_36 : memref<1x19328xf32, #tpu.memory_space<hbm>> -> memref<19328xf32, #tpu.memory_space<hbm>>
      %dma_wait3A_38 = arith.constant 0 : i32
      %dma_wait3A_39 = tpu.memref_slice %arg2[%add3A_34, %dma_wait3A_38] : memref<640x19328xf32, #tpu.memory_space<hbm>> -> memref<1x19328xf32, #tpu.memory_space<hbm>>
      %dma_wait3A_40 = tpu.memref_squeeze %dma_wait3A_39 : memref<1x19328xf32, #tpu.memory_space<hbm>> -> memref<19328xf32, #tpu.memory_space<hbm>>
      tpu.wait_dma2 semaphore(%arg9 : memref<!tpu.dma_semaphore, #tpu.memory_space<semaphore_mem>>) src(%dma_wait3A_40 : memref<19328xf32, #tpu.memory_space<hbm>>) dst(%arg6 : memref<19328xf32, #tpu.memory_space<vmem>>)
      %scan3A_41 = arith.constant 0 : i32
      %scan3A_42 = arith.constant 0 : i32
      %scan3A_43 = arith.constant 40 : i32
      %scan3A_44 = arith.addi %scan3A_42, %scan3A_43 : i32
      %scan3A_45 = arith.constant 4 : i32
      %scan3A_46 = scf.for %scan3A_77 = %scan3A_42 to %scan3A_44 step %scan3A_45 iter_args(%scan3A_78 = %scan3A_41) -> (i32)  : i32 {
        %mul3A_79 = arith.constant 16 : i32
        %mul3A_80 = arith.muli %scan3A_77, %mul3A_79 : i32
        %get3A = arith.index_cast %mul3A_80 : i32 to index
        %get3A_81 = tpu.vector_load %arg5[%get3A] {strides = array<i32>} : memref<640xi32, #tpu.memory_space<vmem>>, vector<16xi32>,
        %gather3A = tpu.vector_load_idx %arg6[%get3A_81] : memref<19328xf32, #tpu.memory_space<vmem>>[vector<16xi32>], vector<16xf32>,
        %mul3A_82 = arith.constant 640 : i32
        %mul3A_83 = arith.muli %mul3A_24, %mul3A_82 : i32
        %mul3A_84 = arith.constant 16 : i32
        %mul3A_85 = arith.muli %scan3A_77, %mul3A_84 : i32
        %add3A_86 = arith.addi %mul3A_83, %mul3A_85 : i32
        %swap3A = arith.index_cast %add3A_86 : i32 to index
        %swap3A_87 = tpu.vector_load %arg8[%swap3A] {strides = array<i32>} : memref<12800xf32, #tpu.memory_space<vmem>>, vector<16xf32>,
        tpu.vector_store %arg8[%swap3A], %gather3A {strides = array<i32>} : memref<12800xf32, #tpu.memory_space<vmem>>, vector<16xf32>,
        %scan3A_88 = arith.constant 0 : i32
        %scan3A_89 = arith.constant 1 : i32
        %scan3A_90 = arith.addi %scan3A_77, %scan3A_89 : i32
        %mul3A_91 = arith.constant 16 : i32
        %mul3A_92 = arith.muli %scan3A_90, %mul3A_91 : i32
        %get3A_93 = arith.index_cast %mul3A_92 : i32 to index
        %get3A_94 = tpu.vector_load %arg5[%get3A_93] {strides = array<i32>} : memref<640xi32, #tpu.memory_space<vmem>>, vector<16xi32>,
        %gather3A_95 = tpu.vector_load_idx %arg6[%get3A_94] : memref<19328xf32, #tpu.memory_space<vmem>>[vector<16xi32>], vector<16xf32>,
        %mul3A_96 = arith.constant 640 : i32
        %mul3A_97 = arith.muli %mul3A_24, %mul3A_96 : i32
        %mul3A_98 = arith.constant 16 : i32
        %mul3A_99 = arith.muli %scan3A_90, %mul3A_98 : i32
        %add3A_100 = arith.addi %mul3A_97, %mul3A_99 : i32
        %swap3A_101 = arith.index_cast %add3A_100 : i32 to index
        %swap3A_102 = tpu.vector_load %arg8[%swap3A_101] {strides = array<i32>} : memref<12800xf32, #tpu.memory_space<vmem>>, vector<16xf32>,
        tpu.vector_store %arg8[%swap3A_101], %gather3A_95 {strides = array<i32>} : memref<12800xf32, #tpu.memory_space<vmem>>, vector<16xf32>,
        %scan3A_103 = arith.constant 0 : i32
        %scan3A_104 = arith.constant 2 : i32
        %scan3A_105 = arith.addi %scan3A_77, %scan3A_104 : i32
        %mul3A_106 = arith.constant 16 : i32
        %mul3A_107 = arith.muli %scan3A_105, %mul3A_106 : i32
        %get3A_108 = arith.index_cast %mul3A_107 : i32 to index
        %get3A_109 = tpu.vector_load %arg5[%get3A_108] {strides = array<i32>} : memref<640xi32, #tpu.memory_space<vmem>>, vector<16xi32>,
        %gather3A_110 = tpu.vector_load_idx %arg6[%get3A_109] : memref<19328xf32, #tpu.memory_space<vmem>>[vector<16xi32>], vector<16xf32>,
        %mul3A_111 = arith.constant 640 : i32
        %mul3A_112 = arith.muli %mul3A_24, %mul3A_111 : i32
        %mul3A_113 = arith.constant 16 : i32
        %mul3A_114 = arith.muli %scan3A_105, %mul3A_113 : i32
        %add3A_115 = arith.addi %mul3A_112, %mul3A_114 : i32
        %swap3A_116 = arith.index_cast %add3A_115 : i32 to index
        %swap3A_117 = tpu.vector_load %arg8[%swap3A_116] {strides = array<i32>} : memref<12800xf32, #tpu.memory_space<vmem>>, vector<16xf32>,
        tpu.vector_store %arg8[%swap3A_116], %gather3A_110 {strides = array<i32>} : memref<12800xf32, #tpu.memory_space<vmem>>, vector<16xf32>,
        %scan3A_118 = arith.constant 0 : i32
        %scan3A_119 = arith.constant 3 : i32
        %scan3A_120 = arith.addi %scan3A_77, %scan3A_119 : i32
        %mul3A_121 = arith.constant 16 : i32
        %mul3A_122 = arith.muli %scan3A_120, %mul3A_121 : i32
        %get3A_123 = arith.index_cast %mul3A_122 : i32 to index
        %get3A_124 = tpu.vector_load %arg5[%get3A_123] {strides = array<i32>} : memref<640xi32, #tpu.memory_space<vmem>>, vector<16xi32>,
        %gather3A_125 = tpu.vector_load_idx %arg6[%get3A_124] : memref<19328xf32, #tpu.memory_space<vmem>>[vector<16xi32>], vector<16xf32>,
        %mul3A_126 = arith.constant 640 : i32
        %mul3A_127 = arith.muli %mul3A_24, %mul3A_126 : i32
        %mul3A_128 = arith.constant 16 : i32
        %mul3A_129 = arith.muli %scan3A_120, %mul3A_128 : i32
        %add3A_130 = arith.addi %mul3A_127, %mul3A_129 : i32
        %swap3A_131 = arith.index_cast %add3A_130 : i32 to index
        %swap3A_132 = tpu.vector_load %arg8[%swap3A_131] {strides = array<i32>} : memref<12800xf32, #tpu.memory_space<vmem>>, vector<16xf32>,
        tpu.vector_store %arg8[%swap3A_131], %gather3A_125 {strides = array<i32>} : memref<12800xf32, #tpu.memory_space<vmem>>, vector<16xf32>,
        %scan3A_133 = arith.constant 0 : i32
        scf.yield %scan3A_133 : i32
      }
      %scan3A_47 = arith.constant 40 : i32
      %add3A_48 = arith.constant 2 : i32
      %add3A_49 = arith.addi %mul3A_24, %add3A_48 : i32
      %rem3A = arith.constant 20 : i32
      %rem3A_50 = arith.remsi %add3A_49, %rem3A : i32
      %add3A_51 = arith.addi %mul3A_2, %rem3A_50 : i32
      %dma_start3A_52 = arith.constant 0 : i32
      %dma_start3A_53 = tpu.memref_slice %arg2[%add3A_51, %dma_start3A_52] : memref<640x19328xf32, #tpu.memory_space<hbm>> -> memref<1x19328xf32, #tpu.memory_space<hbm>>
      %dma_start3A_54 = tpu.memref_squeeze %dma_start3A_53 : memref<1x19328xf32, #tpu.memory_space<hbm>> -> memref<19328xf32, #tpu.memory_space<hbm>>
      %dma_start3A_55 = arith.constant 0 : i32
      %dma_start3A_56 = tpu.memref_slice %arg2[%add3A_51, %dma_start3A_55] : memref<640x19328xf32, #tpu.memory_space<hbm>> -> memref<1x19328xf32, #tpu.memory_space<hbm>>
      %dma_start3A_57 = tpu.memref_squeeze %dma_start3A_56 : memref<1x19328xf32, #tpu.memory_space<hbm>> -> memref<19328xf32, #tpu.memory_space<hbm>>
      tpu.enqueue_dma source(%dma_start3A_57 : memref<19328xf32, #tpu.memory_space<hbm>>) target(%arg6 : memref<19328xf32, #tpu.memory_space<vmem>>) target_semaphore(%arg9 : memref<!tpu.dma_semaphore, #tpu.memory_space<semaphore_mem>>)
      %add3A_58 = arith.addi %mul3A_2, %mul3A_24 : i32
      %add3A_59 = arith.constant 1 : i32
      %add3A_60 = arith.addi %add3A_58, %add3A_59 : i32
      %dma_wait3A_61 = arith.constant 0 : i32
      %dma_wait3A_62 = tpu.memref_slice %arg2[%add3A_60, %dma_wait3A_61] : memref<640x19328xf32, #tpu.memory_space<hbm>> -> memref<1x19328xf32, #tpu.memory_space<hbm>>
      %dma_wait3A_63 = tpu.memref_squeeze %dma_wait3A_62 : memref<1x19328xf32, #tpu.memory_space<hbm>> -> memref<19328xf32, #tpu.memory_space<hbm>>
      %dma_wait3A_64 = arith.constant 0 : i32
      %dma_wait3A_65 = tpu.memref_slice %arg2[%add3A_60, %dma_wait3A_64] : memref<640x19328xf32, #tpu.memory_space<hbm>> -> memref<1x19328xf32, #tpu.memory_space<hbm>>
      %dma_wait3A_66 = tpu.memref_squeeze %dma_wait3A_65 : memref<1x19328xf32, #tpu.memory_space<hbm>> -> memref<19328xf32, #tpu.memory_space<hbm>>
      tpu.wait_dma2 semaphore(%arg10 : memref<!tpu.dma_semaphore, #tpu.memory_space<semaphore_mem>>) src(%dma_wait3A_66 : memref<19328xf32, #tpu.memory_space<hbm>>) dst(%arg7 : memref<19328xf32, #tpu.memory_space<vmem>>)
      %add3A_67 = arith.constant 1 : i32
      %add3A_68 = arith.addi %mul3A_24, %add3A_67 : i32
      %scan3A_69 = arith.constant 0 : i32
      %scan3A_70 = arith.constant 0 : i32
      %scan3A_71 = arith.constant 40 : i32
      %scan3A_72 = arith.addi %scan3A_70, %scan3A_71 : i32
      %scan3A_73 = arith.constant 4 : i32
      %scan3A_74 = scf.for %scan3A_77 = %scan3A_70 to %scan3A_72 step %scan3A_73 iter_args(%scan3A_78 = %scan3A_69) -> (i32)  : i32 {
        %mul3A_79 = arith.constant 16 : i32
        %mul3A_80 = arith.muli %scan3A_77, %mul3A_79 : i32
        %get3A = arith.index_cast %mul3A_80 : i32 to index
        %get3A_81 = tpu.vector_load %arg5[%get3A] {strides = array<i32>} : memref<640xi32, #tpu.memory_space<vmem>>, vector<16xi32>,
        %gather3A = tpu.vector_load_idx %arg7[%get3A_81] : memref<19328xf32, #tpu.memory_space<vmem>>[vector<16xi32>], vector<16xf32>,
        %mul3A_82 = arith.constant 640 : i32
        %mul3A_83 = arith.muli %add3A_68, %mul3A_82 : i32
        %mul3A_84 = arith.constant 16 : i32
        %mul3A_85 = arith.muli %scan3A_77, %mul3A_84 : i32
        %add3A_86 = arith.addi %mul3A_83, %mul3A_85 : i32
        %swap3A = arith.index_cast %add3A_86 : i32 to index
        %swap3A_87 = tpu.vector_load %arg8[%swap3A] {strides = array<i32>} : memref<12800xf32, #tpu.memory_space<vmem>>, vector<16xf32>,
        tpu.vector_store %arg8[%swap3A], %gather3A {strides = array<i32>} : memref<12800xf32, #tpu.memory_space<vmem>>, vector<16xf32>,
        %scan3A_88 = arith.constant 0 : i32
        %scan3A_89 = arith.constant 1 : i32
        %scan3A_90 = arith.addi %scan3A_77, %scan3A_89 : i32
        %mul3A_91 = arith.constant 16 : i32
        %mul3A_92 = arith.muli %scan3A_90, %mul3A_91 : i32
        %get3A_93 = arith.index_cast %mul3A_92 : i32 to index
        %get3A_94 = tpu.vector_load %arg5[%get3A_93] {strides = array<i32>} : memref<640xi32, #tpu.memory_space<vmem>>, vector<16xi32>,
        %gather3A_95 = tpu.vector_load_idx %arg7[%get3A_94] : memref<19328xf32, #tpu.memory_space<vmem>>[vector<16xi32>], vector<16xf32>,
        %mul3A_96 = arith.constant 640 : i32
        %mul3A_97 = arith.muli %add3A_68, %mul3A_96 : i32
        %mul3A_98 = arith.constant 16 : i32
        %mul3A_99 = arith.muli %scan3A_90, %mul3A_98 : i32
        %add3A_100 = arith.addi %mul3A_97, %mul3A_99 : i32
        %swap3A_101 = arith.index_cast %add3A_100 : i32 to index
        %swap3A_102 = tpu.vector_load %arg8[%swap3A_101] {strides = array<i32>} : memref<12800xf32, #tpu.memory_space<vmem>>, vector<16xf32>,
        tpu.vector_store %arg8[%swap3A_101], %gather3A_95 {strides = array<i32>} : memref<12800xf32, #tpu.memory_space<vmem>>, vector<16xf32>,
        %scan3A_103 = arith.constant 0 : i32
        %scan3A_104 = arith.constant 2 : i32
        %scan3A_105 = arith.addi %scan3A_77, %scan3A_104 : i32
        %mul3A_106 = arith.constant 16 : i32
        %mul3A_107 = arith.muli %scan3A_105, %mul3A_106 : i32
        %get3A_108 = arith.index_cast %mul3A_107 : i32 to index
        %get3A_109 = tpu.vector_load %arg5[%get3A_108] {strides = array<i32>} : memref<640xi32, #tpu.memory_space<vmem>>, vector<16xi32>,
        %gather3A_110 = tpu.vector_load_idx %arg7[%get3A_109] : memref<19328xf32, #tpu.memory_space<vmem>>[vector<16xi32>], vector<16xf32>,
        %mul3A_111 = arith.constant 640 : i32
        %mul3A_112 = arith.muli %add3A_68, %mul3A_111 : i32
        %mul3A_113 = arith.constant 16 : i32
        %mul3A_114 = arith.muli %scan3A_105, %mul3A_113 : i32
        %add3A_115 = arith.addi %mul3A_112, %mul3A_114 : i32
        %swap3A_116 = arith.index_cast %add3A_115 : i32 to index
        %swap3A_117 = tpu.vector_load %arg8[%swap3A_116] {strides = array<i32>} : memref<12800xf32, #tpu.memory_space<vmem>>, vector<16xf32>,
        tpu.vector_store %arg8[%swap3A_116], %gather3A_110 {strides = array<i32>} : memref<12800xf32, #tpu.memory_space<vmem>>, vector<16xf32>,
        %scan3A_118 = arith.constant 0 : i32
        %scan3A_119 = arith.constant 3 : i32
        %scan3A_120 = arith.addi %scan3A_77, %scan3A_119 : i32
        %mul3A_121 = arith.constant 16 : i32
        %mul3A_122 = arith.muli %scan3A_120, %mul3A_121 : i32
        %get3A_123 = arith.index_cast %mul3A_122 : i32 to index
        %get3A_124 = tpu.vector_load %arg5[%get3A_123] {strides = array<i32>} : memref<640xi32, #tpu.memory_space<vmem>>, vector<16xi32>,
        %gather3A_125 = tpu.vector_load_idx %arg7[%get3A_124] : memref<19328xf32, #tpu.memory_space<vmem>>[vector<16xi32>], vector<16xf32>,
        %mul3A_126 = arith.constant 640 : i32
        %mul3A_127 = arith.muli %add3A_68, %mul3A_126 : i32
        %mul3A_128 = arith.constant 16 : i32
        %mul3A_129 = arith.muli %scan3A_120, %mul3A_128 : i32
        %add3A_130 = arith.addi %mul3A_127, %mul3A_129 : i32
        %swap3A_131 = arith.index_cast %add3A_130 : i32 to index
        %swap3A_132 = tpu.vector_load %arg8[%swap3A_131] {strides = array<i32>} : memref<12800xf32, #tpu.memory_space<vmem>>, vector<16xf32>,
        tpu.vector_store %arg8[%swap3A_131], %gather3A_125 {strides = array<i32>} : memref<12800xf32, #tpu.memory_space<vmem>>, vector<16xf32>,
        %scan3A_133 = arith.constant 0 : i32
        scf.yield %scan3A_133 : i32
      }
      %scan3A_75 = arith.constant 40 : i32
      %scan3A_76 = arith.constant 0 : i32
      scf.yield %scan3A_76 : i32
    }
    %scan3A_13 = arith.constant 10 : i32
    %dma_wait3A = arith.constant 0 : i32
    %dma_wait3A_14 = tpu.memref_slice %arg2[%mul3A_2, %dma_wait3A] : memref<640x19328xf32, #tpu.memory_space<hbm>> -> memref<1x19328xf32, #tpu.memory_space<hbm>>
    %dma_wait3A_15 = tpu.memref_squeeze %dma_wait3A_14 : memref<1x19328xf32, #tpu.memory_space<hbm>> -> memref<19328xf32, #tpu.memory_space<hbm>>
    %dma_wait3A_16 = arith.constant 0 : i32
    %dma_wait3A_17 = tpu.memref_slice %arg2[%mul3A_2, %dma_wait3A_16] : memref<640x19328xf32, #tpu.memory_space<hbm>> -> memref<1x19328xf32, #tpu.memory_space<hbm>>
    %dma_wait3A_18 = tpu.memref_squeeze %dma_wait3A_17 : memref<1x19328xf32, #tpu.memory_space<hbm>> -> memref<19328xf32, #tpu.memory_space<hbm>>
    tpu.wait_dma2 semaphore(%arg9 : memref<!tpu.dma_semaphore, #tpu.memory_space<semaphore_mem>>) src(%dma_wait3A_18 : memref<19328xf32, #tpu.memory_space<hbm>>) dst(%arg6 : memref<19328xf32, #tpu.memory_space<vmem>>)
    %mul3A_19 = arith.constant 12800 : i32
    %mul3A_20 = arith.muli %add3A, %mul3A_19 : i32
    "tpu.region"() ({
      %run_scoped3A = tpu.sem_alloc : memref<!tpu.dma_semaphore, #tpu.memory_space<semaphore_mem>>
      %dma_start3A_21 = tpu.memref_slice %arg4[%mul3A_20] : memref<409600xf32, #tpu.memory_space<hbm>> -> memref<12800xf32, #tpu.memory_space<hbm>>
      %dma_start3A_22 = tpu.memref_slice %arg4[%mul3A_20] : memref<409600xf32, #tpu.memory_space<hbm>> -> memref<12800xf32, #tpu.memory_space<hbm>>
      tpu.enqueue_dma source(%arg8 : memref<12800xf32, #tpu.memory_space<vmem>>) target(%dma_start3A_22 : memref<12800xf32, #tpu.memory_space<hbm>>) target_semaphore(%run_scoped3A : memref<!tpu.dma_semaphore, #tpu.memory_space<semaphore_mem>>)
      %dma_wait3A_23 = tpu.memref_slice %arg4[%mul3A_20] : memref<409600xf32, #tpu.memory_space<hbm>> -> memref<12800xf32, #tpu.memory_space<hbm>>
      %dma_wait3A_24 = tpu.memref_slice %arg4[%mul3A_20] : memref<409600xf32, #tpu.memory_space<hbm>> -> memref<12800xf32, #tpu.memory_space<hbm>>
      tpu.wait_dma2 semaphore(%run_scoped3A : memref<!tpu.dma_semaphore, #tpu.memory_space<semaphore_mem>>) src(%arg8 : memref<12800xf32, #tpu.memory_space<vmem>>) dst(%dma_wait3A_24 : memref<12800xf32, #tpu.memory_space<hbm>>)
      tpu.yield
    }) : () -> ()
    return
  }
}

module attributes {stable_mosaic.version = 14 : i64} {
  func.func @_topk_body(%arg0: memref<128x151xf32, #tpu.memory_space<vmem>>, %arg1: memref<128x5xf32, #tpu.memory_space<vmem>>, %arg2: memref<128x5xi32, #tpu.memory_space<vmem>>, %arg3: memref<128x5xi32, #tpu.memory_space<vmem>>) attributes {dimension_semantics = [], scalar_prefetch = 0 : i64, scratch_operands = 0 : i64, tpu.core_type = #tpu.core_type<tc>} {
    %get3A = arith.constant 0 : index
    %get3A_0 = arith.constant 0 : index
    %get3A_1 = vector.load %arg0[%get3A, %get3A_0] : memref<128x151xf32, #tpu.memory_space<vmem>>, vector<128x151xf32>
    %iota3A = tpu.iota {dimensions = array<i32: 1>} : vector<128x151xi32>
    %iota3A_2 = tpu.iota {dimensions = array<i32: 0>} : vector<128x1xi32>
    %reduce_max3A = arith.constant dense<0xFF800000> : vector<128xf32>
    %reduce_max3A_3 = vector.multi_reduction <maximumf>, %get3A_1, %reduce_max3A [1] : vector<128x151xf32> to vector<128xf32>
    %broadcast_in_dim3A = vector.shape_cast %reduce_max3A_3 : vector<128xf32> to vector<128x1xf32>
    %eq3A = vector.broadcast %broadcast_in_dim3A : vector<128x1xf32> to vector<128x151xf32>
    %eq3A_4 = arith.cmpf oeq, %get3A_1, %eq3A : vector<128x151xf32>
    %jit3A = arith.constant 151 : i32
    %broadcast_in_dim3A_5 = vector.broadcast %jit3A : i32 to vector<128x151xi32>
    %select_n3A = arith.select %eq3A_4, %iota3A, %broadcast_in_dim3A_5 : vector<128x151xi1>, vector<128x151xi32>
    %reduce_min3A = arith.constant dense<2147483647> : vector<128xi32>
    %reduce_min3A_6 = vector.multi_reduction <minsi>, %select_n3A, %reduce_min3A [1] : vector<128x151xi32> to vector<128xi32>
    %broadcast_in_dim3A_7 = vector.shape_cast %reduce_min3A_6 : vector<128xi32> to vector<128x1xi32>
    %swap3A = arith.constant 0 : index
    %swap3A_8 = arith.constant 0 : index
    %swap3A_9 = vector.load %arg1[%swap3A, %swap3A_8] : memref<128x5xf32, #tpu.memory_space<vmem>>, vector<128x1xf32>
    tpu.vector_store %arg1[%swap3A, %swap3A_8], %broadcast_in_dim3A {strides = array<i32>} : memref<128x5xf32, #tpu.memory_space<vmem>>, vector<128x1xf32>,
    %swap3A_10 = arith.constant 0 : index
    %swap3A_11 = arith.constant 0 : index
    %swap3A_12 = vector.load %arg2[%swap3A_10, %swap3A_11] : memref<128x5xi32, #tpu.memory_space<vmem>>, vector<128x1xi32>
    tpu.vector_store %arg2[%swap3A_10, %swap3A_11], %broadcast_in_dim3A_7 {strides = array<i32>} : memref<128x5xi32, #tpu.memory_space<vmem>>, vector<128x1xi32>,
    %mul3A = arith.constant 128 : i32
    %mul3A_13 = vector.broadcast %mul3A : i32 to vector<128x1xi32>
    %mul3A_14 = arith.muli %broadcast_in_dim3A_7, %mul3A_13 : vector<128x1xi32>
    %add3A = arith.addi %mul3A_14, %iota3A_2 : vector<128x1xi32>
    %swap3A_15 = arith.constant 0 : index
    %swap3A_16 = arith.constant 0 : index
    %swap3A_17 = vector.load %arg3[%swap3A_15, %swap3A_16] : memref<128x5xi32, #tpu.memory_space<vmem>>, vector<128x1xi32>
    tpu.vector_store %arg3[%swap3A_15, %swap3A_16], %add3A {strides = array<i32>} : memref<128x5xi32, #tpu.memory_space<vmem>>, vector<128x1xi32>,
    %eq3A_18 = vector.broadcast %broadcast_in_dim3A_7 : vector<128x1xi32> to vector<128x151xi32>
    %eq3A_19 = arith.cmpi eq, %iota3A, %eq3A_18 : vector<128x151xi32>
    %jit3A_20 = arith.constant 0xFF800000 : f32
    %broadcast_in_dim3A_21 = vector.broadcast %jit3A_20 : f32 to vector<128x151xf32>
    %select_n3A_22 = arith.select %eq3A_19, %broadcast_in_dim3A_21, %get3A_1 : vector<128x151xi1>, vector<128x151xf32>
    %reduce_max3A_23 = arith.constant dense<0xFF800000> : vector<128xf32>
    %reduce_max3A_24 = vector.multi_reduction <maximumf>, %select_n3A_22, %reduce_max3A_23 [1] : vector<128x151xf32> to vector<128xf32>
    %broadcast_in_dim3A_25 = vector.shape_cast %reduce_max3A_24 : vector<128xf32> to vector<128x1xf32>
    %eq3A_26 = vector.broadcast %broadcast_in_dim3A_25 : vector<128x1xf32> to vector<128x151xf32>
    %eq3A_27 = arith.cmpf oeq, %select_n3A_22, %eq3A_26 : vector<128x151xf32>
    %jit3A_28 = arith.constant 151 : i32
    %broadcast_in_dim3A_29 = vector.broadcast %jit3A_28 : i32 to vector<128x151xi32>
    %select_n3A_30 = arith.select %eq3A_27, %iota3A, %broadcast_in_dim3A_29 : vector<128x151xi1>, vector<128x151xi32>
    %reduce_min3A_31 = arith.constant dense<2147483647> : vector<128xi32>
    %reduce_min3A_32 = vector.multi_reduction <minsi>, %select_n3A_30, %reduce_min3A_31 [1] : vector<128x151xi32> to vector<128xi32>
    %broadcast_in_dim3A_33 = vector.shape_cast %reduce_min3A_32 : vector<128xi32> to vector<128x1xi32>
    %swap3A_34 = arith.constant 0 : index
    %swap3A_35 = arith.constant 1 : index
    %swap3A_36 = vector.load %arg1[%swap3A_34, %swap3A_35] : memref<128x5xf32, #tpu.memory_space<vmem>>, vector<128x1xf32>
    tpu.vector_store %arg1[%swap3A_34, %swap3A_35], %broadcast_in_dim3A_25 {strides = array<i32>} : memref<128x5xf32, #tpu.memory_space<vmem>>, vector<128x1xf32>,
    %swap3A_37 = arith.constant 0 : index
    %swap3A_38 = arith.constant 1 : index
    %swap3A_39 = vector.load %arg2[%swap3A_37, %swap3A_38] : memref<128x5xi32, #tpu.memory_space<vmem>>, vector<128x1xi32>
    tpu.vector_store %arg2[%swap3A_37, %swap3A_38], %broadcast_in_dim3A_33 {strides = array<i32>} : memref<128x5xi32, #tpu.memory_space<vmem>>, vector<128x1xi32>,
    %mul3A_40 = arith.constant 128 : i32
    %mul3A_41 = vector.broadcast %mul3A_40 : i32 to vector<128x1xi32>
    %mul3A_42 = arith.muli %broadcast_in_dim3A_33, %mul3A_41 : vector<128x1xi32>
    %add3A_43 = arith.addi %mul3A_42, %iota3A_2 : vector<128x1xi32>
    %swap3A_44 = arith.constant 0 : index
    %swap3A_45 = arith.constant 1 : index
    %swap3A_46 = vector.load %arg3[%swap3A_44, %swap3A_45] : memref<128x5xi32, #tpu.memory_space<vmem>>, vector<128x1xi32>
    tpu.vector_store %arg3[%swap3A_44, %swap3A_45], %add3A_43 {strides = array<i32>} : memref<128x5xi32, #tpu.memory_space<vmem>>, vector<128x1xi32>,
    %eq3A_47 = vector.broadcast %broadcast_in_dim3A_33 : vector<128x1xi32> to vector<128x151xi32>
    %eq3A_48 = arith.cmpi eq, %iota3A, %eq3A_47 : vector<128x151xi32>
    %jit3A_49 = arith.constant 0xFF800000 : f32
    %broadcast_in_dim3A_50 = vector.broadcast %jit3A_49 : f32 to vector<128x151xf32>
    %select_n3A_51 = arith.select %eq3A_48, %broadcast_in_dim3A_50, %select_n3A_22 : vector<128x151xi1>, vector<128x151xf32>
    %reduce_max3A_52 = arith.constant dense<0xFF800000> : vector<128xf32>
    %reduce_max3A_53 = vector.multi_reduction <maximumf>, %select_n3A_51, %reduce_max3A_52 [1] : vector<128x151xf32> to vector<128xf32>
    %broadcast_in_dim3A_54 = vector.shape_cast %reduce_max3A_53 : vector<128xf32> to vector<128x1xf32>
    %eq3A_55 = vector.broadcast %broadcast_in_dim3A_54 : vector<128x1xf32> to vector<128x151xf32>
    %eq3A_56 = arith.cmpf oeq, %select_n3A_51, %eq3A_55 : vector<128x151xf32>
    %jit3A_57 = arith.constant 151 : i32
    %broadcast_in_dim3A_58 = vector.broadcast %jit3A_57 : i32 to vector<128x151xi32>
    %select_n3A_59 = arith.select %eq3A_56, %iota3A, %broadcast_in_dim3A_58 : vector<128x151xi1>, vector<128x151xi32>
    %reduce_min3A_60 = arith.constant dense<2147483647> : vector<128xi32>
    %reduce_min3A_61 = vector.multi_reduction <minsi>, %select_n3A_59, %reduce_min3A_60 [1] : vector<128x151xi32> to vector<128xi32>
    %broadcast_in_dim3A_62 = vector.shape_cast %reduce_min3A_61 : vector<128xi32> to vector<128x1xi32>
    %swap3A_63 = arith.constant 0 : index
    %swap3A_64 = arith.constant 2 : index
    %swap3A_65 = vector.load %arg1[%swap3A_63, %swap3A_64] : memref<128x5xf32, #tpu.memory_space<vmem>>, vector<128x1xf32>
    tpu.vector_store %arg1[%swap3A_63, %swap3A_64], %broadcast_in_dim3A_54 {strides = array<i32>} : memref<128x5xf32, #tpu.memory_space<vmem>>, vector<128x1xf32>,
    %swap3A_66 = arith.constant 0 : index
    %swap3A_67 = arith.constant 2 : index
    %swap3A_68 = vector.load %arg2[%swap3A_66, %swap3A_67] : memref<128x5xi32, #tpu.memory_space<vmem>>, vector<128x1xi32>
    tpu.vector_store %arg2[%swap3A_66, %swap3A_67], %broadcast_in_dim3A_62 {strides = array<i32>} : memref<128x5xi32, #tpu.memory_space<vmem>>, vector<128x1xi32>,
    %mul3A_69 = arith.constant 128 : i32
    %mul3A_70 = vector.broadcast %mul3A_69 : i32 to vector<128x1xi32>
    %mul3A_71 = arith.muli %broadcast_in_dim3A_62, %mul3A_70 : vector<128x1xi32>
    %add3A_72 = arith.addi %mul3A_71, %iota3A_2 : vector<128x1xi32>
    %swap3A_73 = arith.constant 0 : index
    %swap3A_74 = arith.constant 2 : index
    %swap3A_75 = vector.load %arg3[%swap3A_73, %swap3A_74] : memref<128x5xi32, #tpu.memory_space<vmem>>, vector<128x1xi32>
    tpu.vector_store %arg3[%swap3A_73, %swap3A_74], %add3A_72 {strides = array<i32>} : memref<128x5xi32, #tpu.memory_space<vmem>>, vector<128x1xi32>,
    %eq3A_76 = vector.broadcast %broadcast_in_dim3A_62 : vector<128x1xi32> to vector<128x151xi32>
    %eq3A_77 = arith.cmpi eq, %iota3A, %eq3A_76 : vector<128x151xi32>
    %jit3A_78 = arith.constant 0xFF800000 : f32
    %broadcast_in_dim3A_79 = vector.broadcast %jit3A_78 : f32 to vector<128x151xf32>
    %select_n3A_80 = arith.select %eq3A_77, %broadcast_in_dim3A_79, %select_n3A_51 : vector<128x151xi1>, vector<128x151xf32>
    %reduce_max3A_81 = arith.constant dense<0xFF800000> : vector<128xf32>
    %reduce_max3A_82 = vector.multi_reduction <maximumf>, %select_n3A_80, %reduce_max3A_81 [1] : vector<128x151xf32> to vector<128xf32>
    %broadcast_in_dim3A_83 = vector.shape_cast %reduce_max3A_82 : vector<128xf32> to vector<128x1xf32>
    %eq3A_84 = vector.broadcast %broadcast_in_dim3A_83 : vector<128x1xf32> to vector<128x151xf32>
    %eq3A_85 = arith.cmpf oeq, %select_n3A_80, %eq3A_84 : vector<128x151xf32>
    %jit3A_86 = arith.constant 151 : i32
    %broadcast_in_dim3A_87 = vector.broadcast %jit3A_86 : i32 to vector<128x151xi32>
    %select_n3A_88 = arith.select %eq3A_85, %iota3A, %broadcast_in_dim3A_87 : vector<128x151xi1>, vector<128x151xi32>
    %reduce_min3A_89 = arith.constant dense<2147483647> : vector<128xi32>
    %reduce_min3A_90 = vector.multi_reduction <minsi>, %select_n3A_88, %reduce_min3A_89 [1] : vector<128x151xi32> to vector<128xi32>
    %broadcast_in_dim3A_91 = vector.shape_cast %reduce_min3A_90 : vector<128xi32> to vector<128x1xi32>
    %swap3A_92 = arith.constant 0 : index
    %swap3A_93 = arith.constant 3 : index
    %swap3A_94 = vector.load %arg1[%swap3A_92, %swap3A_93] : memref<128x5xf32, #tpu.memory_space<vmem>>, vector<128x1xf32>
    tpu.vector_store %arg1[%swap3A_92, %swap3A_93], %broadcast_in_dim3A_83 {strides = array<i32>} : memref<128x5xf32, #tpu.memory_space<vmem>>, vector<128x1xf32>,
    %swap3A_95 = arith.constant 0 : index
    %swap3A_96 = arith.constant 3 : index
    %swap3A_97 = vector.load %arg2[%swap3A_95, %swap3A_96] : memref<128x5xi32, #tpu.memory_space<vmem>>, vector<128x1xi32>
    tpu.vector_store %arg2[%swap3A_95, %swap3A_96], %broadcast_in_dim3A_91 {strides = array<i32>} : memref<128x5xi32, #tpu.memory_space<vmem>>, vector<128x1xi32>,
    %mul3A_98 = arith.constant 128 : i32
    %mul3A_99 = vector.broadcast %mul3A_98 : i32 to vector<128x1xi32>
    %mul3A_100 = arith.muli %broadcast_in_dim3A_91, %mul3A_99 : vector<128x1xi32>
    %add3A_101 = arith.addi %mul3A_100, %iota3A_2 : vector<128x1xi32>
    %swap3A_102 = arith.constant 0 : index
    %swap3A_103 = arith.constant 3 : index
    %swap3A_104 = vector.load %arg3[%swap3A_102, %swap3A_103] : memref<128x5xi32, #tpu.memory_space<vmem>>, vector<128x1xi32>
    tpu.vector_store %arg3[%swap3A_102, %swap3A_103], %add3A_101 {strides = array<i32>} : memref<128x5xi32, #tpu.memory_space<vmem>>, vector<128x1xi32>,
    %eq3A_105 = vector.broadcast %broadcast_in_dim3A_91 : vector<128x1xi32> to vector<128x151xi32>
    %eq3A_106 = arith.cmpi eq, %iota3A, %eq3A_105 : vector<128x151xi32>
    %jit3A_107 = arith.constant 0xFF800000 : f32
    %broadcast_in_dim3A_108 = vector.broadcast %jit3A_107 : f32 to vector<128x151xf32>
    %select_n3A_109 = arith.select %eq3A_106, %broadcast_in_dim3A_108, %select_n3A_80 : vector<128x151xi1>, vector<128x151xf32>
    %reduce_max3A_110 = arith.constant dense<0xFF800000> : vector<128xf32>
    %reduce_max3A_111 = vector.multi_reduction <maximumf>, %select_n3A_109, %reduce_max3A_110 [1] : vector<128x151xf32> to vector<128xf32>
    %broadcast_in_dim3A_112 = vector.shape_cast %reduce_max3A_111 : vector<128xf32> to vector<128x1xf32>
    %eq3A_113 = vector.broadcast %broadcast_in_dim3A_112 : vector<128x1xf32> to vector<128x151xf32>
    %eq3A_114 = arith.cmpf oeq, %select_n3A_109, %eq3A_113 : vector<128x151xf32>
    %jit3A_115 = arith.constant 151 : i32
    %broadcast_in_dim3A_116 = vector.broadcast %jit3A_115 : i32 to vector<128x151xi32>
    %select_n3A_117 = arith.select %eq3A_114, %iota3A, %broadcast_in_dim3A_116 : vector<128x151xi1>, vector<128x151xi32>
    %reduce_min3A_118 = arith.constant dense<2147483647> : vector<128xi32>
    %reduce_min3A_119 = vector.multi_reduction <minsi>, %select_n3A_117, %reduce_min3A_118 [1] : vector<128x151xi32> to vector<128xi32>
    %broadcast_in_dim3A_120 = vector.shape_cast %reduce_min3A_119 : vector<128xi32> to vector<128x1xi32>
    %swap3A_121 = arith.constant 0 : index
    %swap3A_122 = arith.constant 4 : index
    %swap3A_123 = vector.load %arg1[%swap3A_121, %swap3A_122] : memref<128x5xf32, #tpu.memory_space<vmem>>, vector<128x1xf32>
    tpu.vector_store %arg1[%swap3A_121, %swap3A_122], %broadcast_in_dim3A_112 {strides = array<i32>} : memref<128x5xf32, #tpu.memory_space<vmem>>, vector<128x1xf32>,
    %swap3A_124 = arith.constant 0 : index
    %swap3A_125 = arith.constant 4 : index
    %swap3A_126 = vector.load %arg2[%swap3A_124, %swap3A_125] : memref<128x5xi32, #tpu.memory_space<vmem>>, vector<128x1xi32>
    tpu.vector_store %arg2[%swap3A_124, %swap3A_125], %broadcast_in_dim3A_120 {strides = array<i32>} : memref<128x5xi32, #tpu.memory_space<vmem>>, vector<128x1xi32>,
    %mul3A_127 = arith.constant 128 : i32
    %mul3A_128 = vector.broadcast %mul3A_127 : i32 to vector<128x1xi32>
    %mul3A_129 = arith.muli %broadcast_in_dim3A_120, %mul3A_128 : vector<128x1xi32>
    %add3A_130 = arith.addi %mul3A_129, %iota3A_2 : vector<128x1xi32>
    %swap3A_131 = arith.constant 0 : index
    %swap3A_132 = arith.constant 4 : index
    %swap3A_133 = vector.load %arg3[%swap3A_131, %swap3A_132] : memref<128x5xi32, #tpu.memory_space<vmem>>, vector<128x1xi32>
    tpu.vector_store %arg3[%swap3A_131, %swap3A_132], %add3A_130 {strides = array<i32>} : memref<128x5xi32, #tpu.memory_space<vmem>>, vector<128x1xi32>,
    return
  }
}

module attributes {stable_mosaic.version = 14 : i64} {
  func.func @_u_body(%arg0: i32, %arg1: memref<640xi32, #tpu.memory_space<smem>>, %arg2: memref<1x151x51xf32, #tpu.memory_space<vmem>>, %arg3: memref<1x151x51xf32, #tpu.memory_space<vmem>>, %arg4: memref<1x151x51xf32, #tpu.memory_space<vmem>>, %arg5: memref<1x151x51xf32, #tpu.memory_space<vmem>>, %arg6: memref<1x151x51xf32, #tpu.memory_space<vmem>>, %arg7: memref<1x151x51xf32, #tpu.memory_space<vmem>>, %arg8: memref<1x151x51xf32, #tpu.memory_space<vmem>>, %arg9: memref<1x151x51xf32, #tpu.memory_space<vmem>>, %arg10: memref<1x151x51xf32, #tpu.memory_space<vmem>>, %arg11: memref<1x151x51xf32, #tpu.memory_space<vmem>>, %arg12: memref<1x151x51xf32, #tpu.memory_space<vmem>>, %arg13: memref<1x151x51xf32, #tpu.memory_space<vmem>>, %arg14: memref<1x151x51xf32, #tpu.memory_space<vmem>>, %arg15: memref<1x151x51xf32, #tpu.memory_space<vmem>>, %arg16: memref<1x151x51xf32, #tpu.memory_space<vmem>>, %arg17: memref<1x151x51xf32, #tpu.memory_space<vmem>>, %arg18: memref<1x151x51xf32, #tpu.memory_space<vmem>>, %arg19: memref<1x151x51xf32, #tpu.memory_space<vmem>>, %arg20: memref<1x151x51xf32, #tpu.memory_space<vmem>>, %arg21: memref<1x151x51xf32, #tpu.memory_space<vmem>>, %arg22: memref<512x51xf32, #tpu.memory_space<vmem>>, %arg23: memref<4x5x151x128xf32, #tpu.memory_space<vmem>>) attributes {dimension_semantics = [#tpu.dimension_semantics<arbitrary>], iteration_bounds = array<i64: 32>, scalar_prefetch = 1 : i64, scratch_operands = 0 : i64, tpu.core_type = #tpu.core_type<tc>, window_params = [{transform_indices = @transform_0, window_bounds = array<i64: 1, 151, 51>}, {transform_indices = @transform_1, window_bounds = array<i64: 1, 151, 51>}, {transform_indices = @transform_2, window_bounds = array<i64: 1, 151, 51>}, {transform_indices = @transform_3, window_bounds = array<i64: 1, 151, 51>}, {transform_indices = @transform_4, window_bounds = array<i64: 1, 151, 51>}, {transform_indices = @transform_5, window_bounds = array<i64: 1, 151, 51>}, {transform_indices = @transform_6, window_bounds = array<i64: 1, 151, 51>}, {transform_indices = @transform_7, window_bounds = array<i64: 1, 151, 51>}, {transform_indices = @transform_8, window_bounds = array<i64: 1, 151, 51>}, {transform_indices = @transform_9, window_bounds = array<i64: 1, 151, 51>}, {transform_indices = @transform_10, window_bounds = array<i64: 1, 151, 51>}, {transform_indices = @transform_11, window_bounds = array<i64: 1, 151, 51>}, {transform_indices = @transform_12, window_bounds = array<i64: 1, 151, 51>}, {transform_indices = @transform_13, window_bounds = array<i64: 1, 151, 51>}, {transform_indices = @transform_14, window_bounds = array<i64: 1, 151, 51>}, {transform_indices = @transform_15, window_bounds = array<i64: 1, 151, 51>}, {transform_indices = @transform_16, window_bounds = array<i64: 1, 151, 51>}, {transform_indices = @transform_17, window_bounds = array<i64: 1, 151, 51>}, {transform_indices = @transform_18, window_bounds = array<i64: 1, 151, 51>}, {transform_indices = @transform_19, window_bounds = array<i64: 1, 151, 51>}, {transform_indices = @transform_20, window_bounds = array<i64: 512, 51>}, {transform_indices = @transform_21, window_bounds = array<i64: 4, 5, 151, 128>}]} {
    %get3A = arith.constant 0 : index
    %get3A_0 = arith.constant 0 : index
    %get3A_1 = vector.load %arg22[%get3A, %get3A_0] : memref<512x51xf32, #tpu.memory_space<vmem>>, vector<128x51xf32>
    %exp3A = math.exp %get3A_1 : vector<128x51xf32>
    %get3A_2 = arith.constant 0 : index
    %get3A_3 = arith.constant 0 : index
    %get3A_4 = arith.constant 0 : index
    %get3A_5 = vector.load %arg2[%get3A_2, %get3A_3, %get3A_4] : memref<1x151x51xf32, #tpu.memory_space<vmem>>, vector<1x151x51xf32>
    %get3A_6 = vector.shape_cast %get3A_5 : vector<1x151x51xf32> to vector<151x51xf32>
    %dot_general3A = arith.constant dense<0.000000e+00> : vector<151x128xf32>
    %dot_general3A_7 = tpu.matmul %get3A_6, %exp3A, %dot_general3A {dimension_numbers = #tpu.dot_dimension_numbers<[1], [1], [0], [0], [0, 0, 1, 0], [], []>, precision = #tpu.contract_precision<fp32>, transpose_lhs_hint = false} : vector<151x51xf32>, vector<128x51xf32>, vector<151x128xf32> -> vector<151x128xf32>
    %swap3A = arith.constant 0 : index
    %swap3A_8 = arith.constant 0 : index
    %swap3A_9 = arith.constant 0 : index
    %swap3A_10 = arith.constant 0 : index
    %swap3A_11 = vector.load %arg23[%swap3A, %swap3A_8, %swap3A_9, %swap3A_10] : memref<4x5x151x128xf32, #tpu.memory_space<vmem>>, vector<1x1x151x128xf32>
    %swap3A_12 = vector.shape_cast %swap3A_11 : vector<1x1x151x128xf32> to vector<151x128xf32>
    %swap3A_13 = vector.shape_cast %dot_general3A_7 : vector<151x128xf32> to vector<1x1x151x128xf32>
    tpu.vector_store %arg23[%swap3A, %swap3A_8, %swap3A_9, %swap3A_10], %swap3A_13 {strides = array<i32>} : memref<4x5x151x128xf32, #tpu.memory_space<vmem>>, vector<1x1x151x128xf32>,
    %get3A_14 = arith.constant 0 : index
    %get3A_15 = arith.constant 0 : index
    %get3A_16 = arith.constant 0 : index
    %get3A_17 = vector.load %arg3[%get3A_14, %get3A_15, %get3A_16] : memref<1x151x51xf32, #tpu.memory_space<vmem>>, vector<1x151x51xf32>
    %get3A_18 = vector.shape_cast %get3A_17 : vector<1x151x51xf32> to vector<151x51xf32>
    %dot_general3A_19 = arith.constant dense<0.000000e+00> : vector<151x128xf32>
    %dot_general3A_20 = tpu.matmul %get3A_18, %exp3A, %dot_general3A_19 {dimension_numbers = #tpu.dot_dimension_numbers<[1], [1], [0], [0], [0, 0, 1, 0], [], []>, precision = #tpu.contract_precision<fp32>, transpose_lhs_hint = false} : vector<151x51xf32>, vector<128x51xf32>, vector<151x128xf32> -> vector<151x128xf32>
    %swap3A_21 = arith.constant 0 : index
    %swap3A_22 = arith.constant 1 : index
    %swap3A_23 = arith.constant 0 : index
    %swap3A_24 = arith.constant 0 : index
    %swap3A_25 = vector.load %arg23[%swap3A_21, %swap3A_22, %swap3A_23, %swap3A_24] : memref<4x5x151x128xf32, #tpu.memory_space<vmem>>, vector<1x1x151x128xf32>
    %swap3A_26 = vector.shape_cast %swap3A_25 : vector<1x1x151x128xf32> to vector<151x128xf32>
    %swap3A_27 = vector.shape_cast %dot_general3A_20 : vector<151x128xf32> to vector<1x1x151x128xf32>
    tpu.vector_store %arg23[%swap3A_21, %swap3A_22, %swap3A_23, %swap3A_24], %swap3A_27 {strides = array<i32>} : memref<4x5x151x128xf32, #tpu.memory_space<vmem>>, vector<1x1x151x128xf32>,
    %get3A_28 = arith.constant 0 : index
    %get3A_29 = arith.constant 0 : index
    %get3A_30 = arith.constant 0 : index
    %get3A_31 = vector.load %arg4[%get3A_28, %get3A_29, %get3A_30] : memref<1x151x51xf32, #tpu.memory_space<vmem>>, vector<1x151x51xf32>
    %get3A_32 = vector.shape_cast %get3A_31 : vector<1x151x51xf32> to vector<151x51xf32>
    %dot_general3A_33 = arith.constant dense<0.000000e+00> : vector<151x128xf32>
    %dot_general3A_34 = tpu.matmul %get3A_32, %exp3A, %dot_general3A_33 {dimension_numbers = #tpu.dot_dimension_numbers<[1], [1], [0], [0], [0, 0, 1, 0], [], []>, precision = #tpu.contract_precision<fp32>, transpose_lhs_hint = false} : vector<151x51xf32>, vector<128x51xf32>, vector<151x128xf32> -> vector<151x128xf32>
    %swap3A_35 = arith.constant 0 : index
    %swap3A_36 = arith.constant 2 : index
    %swap3A_37 = arith.constant 0 : index
    %swap3A_38 = arith.constant 0 : index
    %swap3A_39 = vector.load %arg23[%swap3A_35, %swap3A_36, %swap3A_37, %swap3A_38] : memref<4x5x151x128xf32, #tpu.memory_space<vmem>>, vector<1x1x151x128xf32>
    %swap3A_40 = vector.shape_cast %swap3A_39 : vector<1x1x151x128xf32> to vector<151x128xf32>
    %swap3A_41 = vector.shape_cast %dot_general3A_34 : vector<151x128xf32> to vector<1x1x151x128xf32>
    tpu.vector_store %arg23[%swap3A_35, %swap3A_36, %swap3A_37, %swap3A_38], %swap3A_41 {strides = array<i32>} : memref<4x5x151x128xf32, #tpu.memory_space<vmem>>, vector<1x1x151x128xf32>,
    %get3A_42 = arith.constant 0 : index
    %get3A_43 = arith.constant 0 : index
    %get3A_44 = arith.constant 0 : index
    %get3A_45 = vector.load %arg5[%get3A_42, %get3A_43, %get3A_44] : memref<1x151x51xf32, #tpu.memory_space<vmem>>, vector<1x151x51xf32>
    %get3A_46 = vector.shape_cast %get3A_45 : vector<1x151x51xf32> to vector<151x51xf32>
    %dot_general3A_47 = arith.constant dense<0.000000e+00> : vector<151x128xf32>
    %dot_general3A_48 = tpu.matmul %get3A_46, %exp3A, %dot_general3A_47 {dimension_numbers = #tpu.dot_dimension_numbers<[1], [1], [0], [0], [0, 0, 1, 0], [], []>, precision = #tpu.contract_precision<fp32>, transpose_lhs_hint = false} : vector<151x51xf32>, vector<128x51xf32>, vector<151x128xf32> -> vector<151x128xf32>
    %swap3A_49 = arith.constant 0 : index
    %swap3A_50 = arith.constant 3 : index
    %swap3A_51 = arith.constant 0 : index
    %swap3A_52 = arith.constant 0 : index
    %swap3A_53 = vector.load %arg23[%swap3A_49, %swap3A_50, %swap3A_51, %swap3A_52] : memref<4x5x151x128xf32, #tpu.memory_space<vmem>>, vector<1x1x151x128xf32>
    %swap3A_54 = vector.shape_cast %swap3A_53 : vector<1x1x151x128xf32> to vector<151x128xf32>
    %swap3A_55 = vector.shape_cast %dot_general3A_48 : vector<151x128xf32> to vector<1x1x151x128xf32>
    tpu.vector_store %arg23[%swap3A_49, %swap3A_50, %swap3A_51, %swap3A_52], %swap3A_55 {strides = array<i32>} : memref<4x5x151x128xf32, #tpu.memory_space<vmem>>, vector<1x1x151x128xf32>,
    %get3A_56 = arith.constant 0 : index
    %get3A_57 = arith.constant 0 : index
    %get3A_58 = arith.constant 0 : index
    %get3A_59 = vector.load %arg6[%get3A_56, %get3A_57, %get3A_58] : memref<1x151x51xf32, #tpu.memory_space<vmem>>, vector<1x151x51xf32>
    %get3A_60 = vector.shape_cast %get3A_59 : vector<1x151x51xf32> to vector<151x51xf32>
    %dot_general3A_61 = arith.constant dense<0.000000e+00> : vector<151x128xf32>
    %dot_general3A_62 = tpu.matmul %get3A_60, %exp3A, %dot_general3A_61 {dimension_numbers = #tpu.dot_dimension_numbers<[1], [1], [0], [0], [0, 0, 1, 0], [], []>, precision = #tpu.contract_precision<fp32>, transpose_lhs_hint = false} : vector<151x51xf32>, vector<128x51xf32>, vector<151x128xf32> -> vector<151x128xf32>
    %swap3A_63 = arith.constant 0 : index
    %swap3A_64 = arith.constant 4 : index
    %swap3A_65 = arith.constant 0 : index
    %swap3A_66 = arith.constant 0 : index
    %swap3A_67 = vector.load %arg23[%swap3A_63, %swap3A_64, %swap3A_65, %swap3A_66] : memref<4x5x151x128xf32, #tpu.memory_space<vmem>>, vector<1x1x151x128xf32>
    %swap3A_68 = vector.shape_cast %swap3A_67 : vector<1x1x151x128xf32> to vector<151x128xf32>
    %swap3A_69 = vector.shape_cast %dot_general3A_62 : vector<151x128xf32> to vector<1x1x151x128xf32>
    tpu.vector_store %arg23[%swap3A_63, %swap3A_64, %swap3A_65, %swap3A_66], %swap3A_69 {strides = array<i32>} : memref<4x5x151x128xf32, #tpu.memory_space<vmem>>, vector<1x1x151x128xf32>,
    %get3A_70 = arith.constant 128 : index
    %get3A_71 = arith.constant 0 : index
    %get3A_72 = vector.load %arg22[%get3A_70, %get3A_71] : memref<512x51xf32, #tpu.memory_space<vmem>>, vector<128x51xf32>
    %exp3A_73 = math.exp %get3A_72 : vector<128x51xf32>
    %get3A_74 = arith.constant 0 : index
    %get3A_75 = arith.constant 0 : index
    %get3A_76 = arith.constant 0 : index
    %get3A_77 = vector.load %arg7[%get3A_74, %get3A_75, %get3A_76] : memref<1x151x51xf32, #tpu.memory_space<vmem>>, vector<1x151x51xf32>
    %get3A_78 = vector.shape_cast %get3A_77 : vector<1x151x51xf32> to vector<151x51xf32>
    %dot_general3A_79 = arith.constant dense<0.000000e+00> : vector<151x128xf32>
    %dot_general3A_80 = tpu.matmul %get3A_78, %exp3A_73, %dot_general3A_79 {dimension_numbers = #tpu.dot_dimension_numbers<[1], [1], [0], [0], [0, 0, 1, 0], [], []>, precision = #tpu.contract_precision<fp32>, transpose_lhs_hint = false} : vector<151x51xf32>, vector<128x51xf32>, vector<151x128xf32> -> vector<151x128xf32>
    %swap3A_81 = arith.constant 1 : index
    %swap3A_82 = arith.constant 0 : index
    %swap3A_83 = arith.constant 0 : index
    %swap3A_84 = arith.constant 0 : index
    %swap3A_85 = vector.load %arg23[%swap3A_81, %swap3A_82, %swap3A_83, %swap3A_84] : memref<4x5x151x128xf32, #tpu.memory_space<vmem>>, vector<1x1x151x128xf32>
    %swap3A_86 = vector.shape_cast %swap3A_85 : vector<1x1x151x128xf32> to vector<151x128xf32>
    %swap3A_87 = vector.shape_cast %dot_general3A_80 : vector<151x128xf32> to vector<1x1x151x128xf32>
    tpu.vector_store %arg23[%swap3A_81, %swap3A_82, %swap3A_83, %swap3A_84], %swap3A_87 {strides = array<i32>} : memref<4x5x151x128xf32, #tpu.memory_space<vmem>>, vector<1x1x151x128xf32>,
    %get3A_88 = arith.constant 0 : index
    %get3A_89 = arith.constant 0 : index
    %get3A_90 = arith.constant 0 : index
    %get3A_91 = vector.load %arg8[%get3A_88, %get3A_89, %get3A_90] : memref<1x151x51xf32, #tpu.memory_space<vmem>>, vector<1x151x51xf32>
    %get3A_92 = vector.shape_cast %get3A_91 : vector<1x151x51xf32> to vector<151x51xf32>
    %dot_general3A_93 = arith.constant dense<0.000000e+00> : vector<151x128xf32>
    %dot_general3A_94 = tpu.matmul %get3A_92, %exp3A_73, %dot_general3A_93 {dimension_numbers = #tpu.dot_dimension_numbers<[1], [1], [0], [0], [0, 0, 1, 0], [], []>, precision = #tpu.contract_precision<fp32>, transpose_lhs_hint = false} : vector<151x51xf32>, vector<128x51xf32>, vector<151x128xf32> -> vector<151x128xf32>
    %swap3A_95 = arith.constant 1 : index
    %swap3A_96 = arith.constant 1 : index
    %swap3A_97 = arith.constant 0 : index
    %swap3A_98 = arith.constant 0 : index
    %swap3A_99 = vector.load %arg23[%swap3A_95, %swap3A_96, %swap3A_97, %swap3A_98] : memref<4x5x151x128xf32, #tpu.memory_space<vmem>>, vector<1x1x151x128xf32>
    %swap3A_100 = vector.shape_cast %swap3A_99 : vector<1x1x151x128xf32> to vector<151x128xf32>
    %swap3A_101 = vector.shape_cast %dot_general3A_94 : vector<151x128xf32> to vector<1x1x151x128xf32>
    tpu.vector_store %arg23[%swap3A_95, %swap3A_96, %swap3A_97, %swap3A_98], %swap3A_101 {strides = array<i32>} : memref<4x5x151x128xf32, #tpu.memory_space<vmem>>, vector<1x1x151x128xf32>,
    %get3A_102 = arith.constant 0 : index
    %get3A_103 = arith.constant 0 : index
    %get3A_104 = arith.constant 0 : index
    %get3A_105 = vector.load %arg9[%get3A_102, %get3A_103, %get3A_104] : memref<1x151x51xf32, #tpu.memory_space<vmem>>, vector<1x151x51xf32>
    %get3A_106 = vector.shape_cast %get3A_105 : vector<1x151x51xf32> to vector<151x51xf32>
    %dot_general3A_107 = arith.constant dense<0.000000e+00> : vector<151x128xf32>
    %dot_general3A_108 = tpu.matmul %get3A_106, %exp3A_73, %dot_general3A_107 {dimension_numbers = #tpu.dot_dimension_numbers<[1], [1], [0], [0], [0, 0, 1, 0], [], []>, precision = #tpu.contract_precision<fp32>, transpose_lhs_hint = false} : vector<151x51xf32>, vector<128x51xf32>, vector<151x128xf32> -> vector<151x128xf32>
    %swap3A_109 = arith.constant 1 : index
    %swap3A_110 = arith.constant 2 : index
    %swap3A_111 = arith.constant 0 : index
    %swap3A_112 = arith.constant 0 : index
    %swap3A_113 = vector.load %arg23[%swap3A_109, %swap3A_110, %swap3A_111, %swap3A_112] : memref<4x5x151x128xf32, #tpu.memory_space<vmem>>, vector<1x1x151x128xf32>
    %swap3A_114 = vector.shape_cast %swap3A_113 : vector<1x1x151x128xf32> to vector<151x128xf32>
    %swap3A_115 = vector.shape_cast %dot_general3A_108 : vector<151x128xf32> to vector<1x1x151x128xf32>
    tpu.vector_store %arg23[%swap3A_109, %swap3A_110, %swap3A_111, %swap3A_112], %swap3A_115 {strides = array<i32>} : memref<4x5x151x128xf32, #tpu.memory_space<vmem>>, vector<1x1x151x128xf32>,
    %get3A_116 = arith.constant 0 : index
    %get3A_117 = arith.constant 0 : index
    %get3A_118 = arith.constant 0 : index
    %get3A_119 = vector.load %arg10[%get3A_116, %get3A_117, %get3A_118] : memref<1x151x51xf32, #tpu.memory_space<vmem>>, vector<1x151x51xf32>
    %get3A_120 = vector.shape_cast %get3A_119 : vector<1x151x51xf32> to vector<151x51xf32>
    %dot_general3A_121 = arith.constant dense<0.000000e+00> : vector<151x128xf32>
    %dot_general3A_122 = tpu.matmul %get3A_120, %exp3A_73, %dot_general3A_121 {dimension_numbers = #tpu.dot_dimension_numbers<[1], [1], [0], [0], [0, 0, 1, 0], [], []>, precision = #tpu.contract_precision<fp32>, transpose_lhs_hint = false} : vector<151x51xf32>, vector<128x51xf32>, vector<151x128xf32> -> vector<151x128xf32>
    %swap3A_123 = arith.constant 1 : index
    %swap3A_124 = arith.constant 3 : index
    %swap3A_125 = arith.constant 0 : index
    %swap3A_126 = arith.constant 0 : index
    %swap3A_127 = vector.load %arg23[%swap3A_123, %swap3A_124, %swap3A_125, %swap3A_126] : memref<4x5x151x128xf32, #tpu.memory_space<vmem>>, vector<1x1x151x128xf32>
    %swap3A_128 = vector.shape_cast %swap3A_127 : vector<1x1x151x128xf32> to vector<151x128xf32>
    %swap3A_129 = vector.shape_cast %dot_general3A_122 : vector<151x128xf32> to vector<1x1x151x128xf32>
    tpu.vector_store %arg23[%swap3A_123, %swap3A_124, %swap3A_125, %swap3A_126], %swap3A_129 {strides = array<i32>} : memref<4x5x151x128xf32, #tpu.memory_space<vmem>>, vector<1x1x151x128xf32>,
    %get3A_130 = arith.constant 0 : index
    %get3A_131 = arith.constant 0 : index
    %get3A_132 = arith.constant 0 : index
    %get3A_133 = vector.load %arg11[%get3A_130, %get3A_131, %get3A_132] : memref<1x151x51xf32, #tpu.memory_space<vmem>>, vector<1x151x51xf32>
    %get3A_134 = vector.shape_cast %get3A_133 : vector<1x151x51xf32> to vector<151x51xf32>
    %dot_general3A_135 = arith.constant dense<0.000000e+00> : vector<151x128xf32>
    %dot_general3A_136 = tpu.matmul %get3A_134, %exp3A_73, %dot_general3A_135 {dimension_numbers = #tpu.dot_dimension_numbers<[1], [1], [0], [0], [0, 0, 1, 0], [], []>, precision = #tpu.contract_precision<fp32>, transpose_lhs_hint = false} : vector<151x51xf32>, vector<128x51xf32>, vector<151x128xf32> -> vector<151x128xf32>
    %swap3A_137 = arith.constant 1 : index
    %swap3A_138 = arith.constant 4 : index
    %swap3A_139 = arith.constant 0 : index
    %swap3A_140 = arith.constant 0 : index
    %swap3A_141 = vector.load %arg23[%swap3A_137, %swap3A_138, %swap3A_139, %swap3A_140] : memref<4x5x151x128xf32, #tpu.memory_space<vmem>>, vector<1x1x151x128xf32>
    %swap3A_142 = vector.shape_cast %swap3A_141 : vector<1x1x151x128xf32> to vector<151x128xf32>
    %swap3A_143 = vector.shape_cast %dot_general3A_136 : vector<151x128xf32> to vector<1x1x151x128xf32>
    tpu.vector_store %arg23[%swap3A_137, %swap3A_138, %swap3A_139, %swap3A_140], %swap3A_143 {strides = array<i32>} : memref<4x5x151x128xf32, #tpu.memory_space<vmem>>, vector<1x1x151x128xf32>,
    %get3A_144 = arith.constant 256 : index
    %get3A_145 = arith.constant 0 : index
    %get3A_146 = vector.load %arg22[%get3A_144, %get3A_145] : memref<512x51xf32, #tpu.memory_space<vmem>>, vector<128x51xf32>
    %exp3A_147 = math.exp %get3A_146 : vector<128x51xf32>
    %get3A_148 = arith.constant 0 : index
    %get3A_149 = arith.constant 0 : index
    %get3A_150 = arith.constant 0 : index
    %get3A_151 = vector.load %arg12[%get3A_148, %get3A_149, %get3A_150] : memref<1x151x51xf32, #tpu.memory_space<vmem>>, vector<1x151x51xf32>
    %get3A_152 = vector.shape_cast %get3A_151 : vector<1x151x51xf32> to vector<151x51xf32>
    %dot_general3A_153 = arith.constant dense<0.000000e+00> : vector<151x128xf32>
    %dot_general3A_154 = tpu.matmul %get3A_152, %exp3A_147, %dot_general3A_153 {dimension_numbers = #tpu.dot_dimension_numbers<[1], [1], [0], [0], [0, 0, 1, 0], [], []>, precision = #tpu.contract_precision<fp32>, transpose_lhs_hint = false} : vector<151x51xf32>, vector<128x51xf32>, vector<151x128xf32> -> vector<151x128xf32>
    %swap3A_155 = arith.constant 2 : index
    %swap3A_156 = arith.constant 0 : index
    %swap3A_157 = arith.constant 0 : index
    %swap3A_158 = arith.constant 0 : index
    %swap3A_159 = vector.load %arg23[%swap3A_155, %swap3A_156, %swap3A_157, %swap3A_158] : memref<4x5x151x128xf32, #tpu.memory_space<vmem>>, vector<1x1x151x128xf32>
    %swap3A_160 = vector.shape_cast %swap3A_159 : vector<1x1x151x128xf32> to vector<151x128xf32>
    %swap3A_161 = vector.shape_cast %dot_general3A_154 : vector<151x128xf32> to vector<1x1x151x128xf32>
    tpu.vector_store %arg23[%swap3A_155, %swap3A_156, %swap3A_157, %swap3A_158], %swap3A_161 {strides = array<i32>} : memref<4x5x151x128xf32, #tpu.memory_space<vmem>>, vector<1x1x151x128xf32>,
    %get3A_162 = arith.constant 0 : index
    %get3A_163 = arith.constant 0 : index
    %get3A_164 = arith.constant 0 : index
    %get3A_165 = vector.load %arg13[%get3A_162, %get3A_163, %get3A_164] : memref<1x151x51xf32, #tpu.memory_space<vmem>>, vector<1x151x51xf32>
    %get3A_166 = vector.shape_cast %get3A_165 : vector<1x151x51xf32> to vector<151x51xf32>
    %dot_general3A_167 = arith.constant dense<0.000000e+00> : vector<151x128xf32>
    %dot_general3A_168 = tpu.matmul %get3A_166, %exp3A_147, %dot_general3A_167 {dimension_numbers = #tpu.dot_dimension_numbers<[1], [1], [0], [0], [0, 0, 1, 0], [], []>, precision = #tpu.contract_precision<fp32>, transpose_lhs_hint = false} : vector<151x51xf32>, vector<128x51xf32>, vector<151x128xf32> -> vector<151x128xf32>
    %swap3A_169 = arith.constant 2 : index
    %swap3A_170 = arith.constant 1 : index
    %swap3A_171 = arith.constant 0 : index
    %swap3A_172 = arith.constant 0 : index
    %swap3A_173 = vector.load %arg23[%swap3A_169, %swap3A_170, %swap3A_171, %swap3A_172] : memref<4x5x151x128xf32, #tpu.memory_space<vmem>>, vector<1x1x151x128xf32>
    %swap3A_174 = vector.shape_cast %swap3A_173 : vector<1x1x151x128xf32> to vector<151x128xf32>
    %swap3A_175 = vector.shape_cast %dot_general3A_168 : vector<151x128xf32> to vector<1x1x151x128xf32>
    tpu.vector_store %arg23[%swap3A_169, %swap3A_170, %swap3A_171, %swap3A_172], %swap3A_175 {strides = array<i32>} : memref<4x5x151x128xf32, #tpu.memory_space<vmem>>, vector<1x1x151x128xf32>,
    %get3A_176 = arith.constant 0 : index
    %get3A_177 = arith.constant 0 : index
    %get3A_178 = arith.constant 0 : index
    %get3A_179 = vector.load %arg14[%get3A_176, %get3A_177, %get3A_178] : memref<1x151x51xf32, #tpu.memory_space<vmem>>, vector<1x151x51xf32>
    %get3A_180 = vector.shape_cast %get3A_179 : vector<1x151x51xf32> to vector<151x51xf32>
    %dot_general3A_181 = arith.constant dense<0.000000e+00> : vector<151x128xf32>
    %dot_general3A_182 = tpu.matmul %get3A_180, %exp3A_147, %dot_general3A_181 {dimension_numbers = #tpu.dot_dimension_numbers<[1], [1], [0], [0], [0, 0, 1, 0], [], []>, precision = #tpu.contract_precision<fp32>, transpose_lhs_hint = false} : vector<151x51xf32>, vector<128x51xf32>, vector<151x128xf32> -> vector<151x128xf32>
    %swap3A_183 = arith.constant 2 : index
    %swap3A_184 = arith.constant 2 : index
    %swap3A_185 = arith.constant 0 : index
    %swap3A_186 = arith.constant 0 : index
    %swap3A_187 = vector.load %arg23[%swap3A_183, %swap3A_184, %swap3A_185, %swap3A_186] : memref<4x5x151x128xf32, #tpu.memory_space<vmem>>, vector<1x1x151x128xf32>
    %swap3A_188 = vector.shape_cast %swap3A_187 : vector<1x1x151x128xf32> to vector<151x128xf32>
    %swap3A_189 = vector.shape_cast %dot_general3A_182 : vector<151x128xf32> to vector<1x1x151x128xf32>
    tpu.vector_store %arg23[%swap3A_183, %swap3A_184, %swap3A_185, %swap3A_186], %swap3A_189 {strides = array<i32>} : memref<4x5x151x128xf32, #tpu.memory_space<vmem>>, vector<1x1x151x128xf32>,
    %get3A_190 = arith.constant 0 : index
    %get3A_191 = arith.constant 0 : index
    %get3A_192 = arith.constant 0 : index
    %get3A_193 = vector.load %arg15[%get3A_190, %get3A_191, %get3A_192] : memref<1x151x51xf32, #tpu.memory_space<vmem>>, vector<1x151x51xf32>
    %get3A_194 = vector.shape_cast %get3A_193 : vector<1x151x51xf32> to vector<151x51xf32>
    %dot_general3A_195 = arith.constant dense<0.000000e+00> : vector<151x128xf32>
    %dot_general3A_196 = tpu.matmul %get3A_194, %exp3A_147, %dot_general3A_195 {dimension_numbers = #tpu.dot_dimension_numbers<[1], [1], [0], [0], [0, 0, 1, 0], [], []>, precision = #tpu.contract_precision<fp32>, transpose_lhs_hint = false} : vector<151x51xf32>, vector<128x51xf32>, vector<151x128xf32> -> vector<151x128xf32>
    %swap3A_197 = arith.constant 2 : index
    %swap3A_198 = arith.constant 3 : index
    %swap3A_199 = arith.constant 0 : index
    %swap3A_200 = arith.constant 0 : index
    %swap3A_201 = vector.load %arg23[%swap3A_197, %swap3A_198, %swap3A_199, %swap3A_200] : memref<4x5x151x128xf32, #tpu.memory_space<vmem>>, vector<1x1x151x128xf32>
    %swap3A_202 = vector.shape_cast %swap3A_201 : vector<1x1x151x128xf32> to vector<151x128xf32>
    %swap3A_203 = vector.shape_cast %dot_general3A_196 : vector<151x128xf32> to vector<1x1x151x128xf32>
    tpu.vector_store %arg23[%swap3A_197, %swap3A_198, %swap3A_199, %swap3A_200], %swap3A_203 {strides = array<i32>} : memref<4x5x151x128xf32, #tpu.memory_space<vmem>>, vector<1x1x151x128xf32>,
    %get3A_204 = arith.constant 0 : index
    %get3A_205 = arith.constant 0 : index
    %get3A_206 = arith.constant 0 : index
    %get3A_207 = vector.load %arg16[%get3A_204, %get3A_205, %get3A_206] : memref<1x151x51xf32, #tpu.memory_space<vmem>>, vector<1x151x51xf32>
    %get3A_208 = vector.shape_cast %get3A_207 : vector<1x151x51xf32> to vector<151x51xf32>
    %dot_general3A_209 = arith.constant dense<0.000000e+00> : vector<151x128xf32>
    %dot_general3A_210 = tpu.matmul %get3A_208, %exp3A_147, %dot_general3A_209 {dimension_numbers = #tpu.dot_dimension_numbers<[1], [1], [0], [0], [0, 0, 1, 0], [], []>, precision = #tpu.contract_precision<fp32>, transpose_lhs_hint = false} : vector<151x51xf32>, vector<128x51xf32>, vector<151x128xf32> -> vector<151x128xf32>
    %swap3A_211 = arith.constant 2 : index
    %swap3A_212 = arith.constant 4 : index
    %swap3A_213 = arith.constant 0 : index
    %swap3A_214 = arith.constant 0 : index
    %swap3A_215 = vector.load %arg23[%swap3A_211, %swap3A_212, %swap3A_213, %swap3A_214] : memref<4x5x151x128xf32, #tpu.memory_space<vmem>>, vector<1x1x151x128xf32>
    %swap3A_216 = vector.shape_cast %swap3A_215 : vector<1x1x151x128xf32> to vector<151x128xf32>
    %swap3A_217 = vector.shape_cast %dot_general3A_210 : vector<151x128xf32> to vector<1x1x151x128xf32>
    tpu.vector_store %arg23[%swap3A_211, %swap3A_212, %swap3A_213, %swap3A_214], %swap3A_217 {strides = array<i32>} : memref<4x5x151x128xf32, #tpu.memory_space<vmem>>, vector<1x1x151x128xf32>,
    %get3A_218 = arith.constant 384 : index
    %get3A_219 = arith.constant 0 : index
    %get3A_220 = vector.load %arg22[%get3A_218, %get3A_219] : memref<512x51xf32, #tpu.memory_space<vmem>>, vector<128x51xf32>
    %exp3A_221 = math.exp %get3A_220 : vector<128x51xf32>
    %get3A_222 = arith.constant 0 : index
    %get3A_223 = arith.constant 0 : index
    %get3A_224 = arith.constant 0 : index
    %get3A_225 = vector.load %arg17[%get3A_222, %get3A_223, %get3A_224] : memref<1x151x51xf32, #tpu.memory_space<vmem>>, vector<1x151x51xf32>
    %get3A_226 = vector.shape_cast %get3A_225 : vector<1x151x51xf32> to vector<151x51xf32>
    %dot_general3A_227 = arith.constant dense<0.000000e+00> : vector<151x128xf32>
    %dot_general3A_228 = tpu.matmul %get3A_226, %exp3A_221, %dot_general3A_227 {dimension_numbers = #tpu.dot_dimension_numbers<[1], [1], [0], [0], [0, 0, 1, 0], [], []>, precision = #tpu.contract_precision<fp32>, transpose_lhs_hint = false} : vector<151x51xf32>, vector<128x51xf32>, vector<151x128xf32> -> vector<151x128xf32>
    %swap3A_229 = arith.constant 3 : index
    %swap3A_230 = arith.constant 0 : index
    %swap3A_231 = arith.constant 0 : index
    %swap3A_232 = arith.constant 0 : index
    %swap3A_233 = vector.load %arg23[%swap3A_229, %swap3A_230, %swap3A_231, %swap3A_232] : memref<4x5x151x128xf32, #tpu.memory_space<vmem>>, vector<1x1x151x128xf32>
    %swap3A_234 = vector.shape_cast %swap3A_233 : vector<1x1x151x128xf32> to vector<151x128xf32>
    %swap3A_235 = vector.shape_cast %dot_general3A_228 : vector<151x128xf32> to vector<1x1x151x128xf32>
    tpu.vector_store %arg23[%swap3A_229, %swap3A_230, %swap3A_231, %swap3A_232], %swap3A_235 {strides = array<i32>} : memref<4x5x151x128xf32, #tpu.memory_space<vmem>>, vector<1x1x151x128xf32>,
    %get3A_236 = arith.constant 0 : index
    %get3A_237 = arith.constant 0 : index
    %get3A_238 = arith.constant 0 : index
    %get3A_239 = vector.load %arg18[%get3A_236, %get3A_237, %get3A_238] : memref<1x151x51xf32, #tpu.memory_space<vmem>>, vector<1x151x51xf32>
    %get3A_240 = vector.shape_cast %get3A_239 : vector<1x151x51xf32> to vector<151x51xf32>
    %dot_general3A_241 = arith.constant dense<0.000000e+00> : vector<151x128xf32>
    %dot_general3A_242 = tpu.matmul %get3A_240, %exp3A_221, %dot_general3A_241 {dimension_numbers = #tpu.dot_dimension_numbers<[1], [1], [0], [0], [0, 0, 1, 0], [], []>, precision = #tpu.contract_precision<fp32>, transpose_lhs_hint = false} : vector<151x51xf32>, vector<128x51xf32>, vector<151x128xf32> -> vector<151x128xf32>
    %swap3A_243 = arith.constant 3 : index
    %swap3A_244 = arith.constant 1 : index
    %swap3A_245 = arith.constant 0 : index
    %swap3A_246 = arith.constant 0 : index
    %swap3A_247 = vector.load %arg23[%swap3A_243, %swap3A_244, %swap3A_245, %swap3A_246] : memref<4x5x151x128xf32, #tpu.memory_space<vmem>>, vector<1x1x151x128xf32>
    %swap3A_248 = vector.shape_cast %swap3A_247 : vector<1x1x151x128xf32> to vector<151x128xf32>
    %swap3A_249 = vector.shape_cast %dot_general3A_242 : vector<151x128xf32> to vector<1x1x151x128xf32>
    tpu.vector_store %arg23[%swap3A_243, %swap3A_244, %swap3A_245, %swap3A_246], %swap3A_249 {strides = array<i32>} : memref<4x5x151x128xf32, #tpu.memory_space<vmem>>, vector<1x1x151x128xf32>,
    %get3A_250 = arith.constant 0 : index
    %get3A_251 = arith.constant 0 : index
    %get3A_252 = arith.constant 0 : index
    %get3A_253 = vector.load %arg19[%get3A_250, %get3A_251, %get3A_252] : memref<1x151x51xf32, #tpu.memory_space<vmem>>, vector<1x151x51xf32>
    %get3A_254 = vector.shape_cast %get3A_253 : vector<1x151x51xf32> to vector<151x51xf32>
    %dot_general3A_255 = arith.constant dense<0.000000e+00> : vector<151x128xf32>
    %dot_general3A_256 = tpu.matmul %get3A_254, %exp3A_221, %dot_general3A_255 {dimension_numbers = #tpu.dot_dimension_numbers<[1], [1], [0], [0], [0, 0, 1, 0], [], []>, precision = #tpu.contract_precision<fp32>, transpose_lhs_hint = false} : vector<151x51xf32>, vector<128x51xf32>, vector<151x128xf32> -> vector<151x128xf32>
    %swap3A_257 = arith.constant 3 : index
    %swap3A_258 = arith.constant 2 : index
    %swap3A_259 = arith.constant 0 : index
    %swap3A_260 = arith.constant 0 : index
    %swap3A_261 = vector.load %arg23[%swap3A_257, %swap3A_258, %swap3A_259, %swap3A_260] : memref<4x5x151x128xf32, #tpu.memory_space<vmem>>, vector<1x1x151x128xf32>
    %swap3A_262 = vector.shape_cast %swap3A_261 : vector<1x1x151x128xf32> to vector<151x128xf32>
    %swap3A_263 = vector.shape_cast %dot_general3A_256 : vector<151x128xf32> to vector<1x1x151x128xf32>
    tpu.vector_store %arg23[%swap3A_257, %swap3A_258, %swap3A_259, %swap3A_260], %swap3A_263 {strides = array<i32>} : memref<4x5x151x128xf32, #tpu.memory_space<vmem>>, vector<1x1x151x128xf32>,
    %get3A_264 = arith.constant 0 : index
    %get3A_265 = arith.constant 0 : index
    %get3A_266 = arith.constant 0 : index
    %get3A_267 = vector.load %arg20[%get3A_264, %get3A_265, %get3A_266] : memref<1x151x51xf32, #tpu.memory_space<vmem>>, vector<1x151x51xf32>
    %get3A_268 = vector.shape_cast %get3A_267 : vector<1x151x51xf32> to vector<151x51xf32>
    %dot_general3A_269 = arith.constant dense<0.000000e+00> : vector<151x128xf32>
    %dot_general3A_270 = tpu.matmul %get3A_268, %exp3A_221, %dot_general3A_269 {dimension_numbers = #tpu.dot_dimension_numbers<[1], [1], [0], [0], [0, 0, 1, 0], [], []>, precision = #tpu.contract_precision<fp32>, transpose_lhs_hint = false} : vector<151x51xf32>, vector<128x51xf32>, vector<151x128xf32> -> vector<151x128xf32>
    %swap3A_271 = arith.constant 3 : index
    %swap3A_272 = arith.constant 3 : index
    %swap3A_273 = arith.constant 0 : index
    %swap3A_274 = arith.constant 0 : index
    %swap3A_275 = vector.load %arg23[%swap3A_271, %swap3A_272, %swap3A_273, %swap3A_274] : memref<4x5x151x128xf32, #tpu.memory_space<vmem>>, vector<1x1x151x128xf32>
    %swap3A_276 = vector.shape_cast %swap3A_275 : vector<1x1x151x128xf32> to vector<151x128xf32>
    %swap3A_277 = vector.shape_cast %dot_general3A_270 : vector<151x128xf32> to vector<1x1x151x128xf32>
    tpu.vector_store %arg23[%swap3A_271, %swap3A_272, %swap3A_273, %swap3A_274], %swap3A_277 {strides = array<i32>} : memref<4x5x151x128xf32, #tpu.memory_space<vmem>>, vector<1x1x151x128xf32>,
    %get3A_278 = arith.constant 0 : index
    %get3A_279 = arith.constant 0 : index
    %get3A_280 = arith.constant 0 : index
    %get3A_281 = vector.load %arg21[%get3A_278, %get3A_279, %get3A_280] : memref<1x151x51xf32, #tpu.memory_space<vmem>>, vector<1x151x51xf32>
    %get3A_282 = vector.shape_cast %get3A_281 : vector<1x151x51xf32> to vector<151x51xf32>
    %dot_general3A_283 = arith.constant dense<0.000000e+00> : vector<151x128xf32>
    %dot_general3A_284 = tpu.matmul %get3A_282, %exp3A_221, %dot_general3A_283 {dimension_numbers = #tpu.dot_dimension_numbers<[1], [1], [0], [0], [0, 0, 1, 0], [], []>, precision = #tpu.contract_precision<fp32>, transpose_lhs_hint = false} : vector<151x51xf32>, vector<128x51xf32>, vector<151x128xf32> -> vector<151x128xf32>
    %swap3A_285 = arith.constant 3 : index
    %swap3A_286 = arith.constant 4 : index
    %swap3A_287 = arith.constant 0 : index
    %swap3A_288 = arith.constant 0 : index
    %swap3A_289 = vector.load %arg23[%swap3A_285, %swap3A_286, %swap3A_287, %swap3A_288] : memref<4x5x151x128xf32, #tpu.memory_space<vmem>>, vector<1x1x151x128xf32>
    %swap3A_290 = vector.shape_cast %swap3A_289 : vector<1x1x151x128xf32> to vector<151x128xf32>
    %swap3A_291 = vector.shape_cast %dot_general3A_284 : vector<151x128xf32> to vector<1x1x151x128xf32>
    tpu.vector_store %arg23[%swap3A_285, %swap3A_286, %swap3A_287, %swap3A_288], %swap3A_291 {strides = array<i32>} : memref<4x5x151x128xf32, #tpu.memory_space<vmem>>, vector<1x1x151x128xf32>,
    return
  }
  func.func @transform_0(%arg0: i32, %arg1: memref<640xi32, #tpu.memory_space<smem>>) -> (i32, i32, i32) {
    %mul3A = arith.constant 20 : i32
    %mul3A_0 = arith.muli %arg0, %mul3A : i32
    %add3A = arith.constant 0 : i32
    %add3A_1 = arith.addi %mul3A_0, %add3A : i32
    %get3A = arith.index_cast %add3A_1 : i32 to index
    %get3A_2 = memref.load %arg1[%get3A] : memref<640xi32, #tpu.memory_space<smem>>
    %c0_i32 = arith.constant 0 : i32
    %c0_i32_3 = arith.constant 0 : i32
    %c0_i32_4 = arith.constant 0 : i32
    return %get3A_2, %c0_i32, %c0_i32_3 : i32, i32, i32
  }
  func.func @transform_1(%arg0: i32, %arg1: memref<640xi32, #tpu.memory_space<smem>>) -> (i32, i32, i32) {
    %mul3A = arith.constant 20 : i32
    %mul3A_0 = arith.muli %arg0, %mul3A : i32
    %add3A = arith.constant 1 : i32
    %add3A_1 = arith.addi %mul3A_0, %add3A : i32
    %get3A = arith.index_cast %add3A_1 : i32 to index
    %get3A_2 = memref.load %arg1[%get3A] : memref<640xi32, #tpu.memory_space<smem>>
    %c0_i32 = arith.constant 0 : i32
    %c0_i32_3 = arith.constant 0 : i32
    %c0_i32_4 = arith.constant 0 : i32
    return %get3A_2, %c0_i32, %c0_i32_3 : i32, i32, i32
  }
  func.func @transform_2(%arg0: i32, %arg1: memref<640xi32, #tpu.memory_space<smem>>) -> (i32, i32, i32) {
    %mul3A = arith.constant 20 : i32
    %mul3A_0 = arith.muli %arg0, %mul3A : i32
    %add3A = arith.constant 2 : i32
    %add3A_1 = arith.addi %mul3A_0, %add3A : i32
    %get3A = arith.index_cast %add3A_1 : i32 to index
    %get3A_2 = memref.load %arg1[%get3A] : memref<640xi32, #tpu.memory_space<smem>>
    %c0_i32 = arith.constant 0 : i32
    %c0_i32_3 = arith.constant 0 : i32
    %c0_i32_4 = arith.constant 0 : i32
    return %get3A_2, %c0_i32, %c0_i32_3 : i32, i32, i32
  }
  func.func @transform_3(%arg0: i32, %arg1: memref<640xi32, #tpu.memory_space<smem>>) -> (i32, i32, i32) {
    %mul3A = arith.constant 20 : i32
    %mul3A_0 = arith.muli %arg0, %mul3A : i32
    %add3A = arith.constant 3 : i32
    %add3A_1 = arith.addi %mul3A_0, %add3A : i32
    %get3A = arith.index_cast %add3A_1 : i32 to index
    %get3A_2 = memref.load %arg1[%get3A] : memref<640xi32, #tpu.memory_space<smem>>
    %c0_i32 = arith.constant 0 : i32
    %c0_i32_3 = arith.constant 0 : i32
    %c0_i32_4 = arith.constant 0 : i32
    return %get3A_2, %c0_i32, %c0_i32_3 : i32, i32, i32
  }
  func.func @transform_4(%arg0: i32, %arg1: memref<640xi32, #tpu.memory_space<smem>>) -> (i32, i32, i32) {
    %mul3A = arith.constant 20 : i32
    %mul3A_0 = arith.muli %arg0, %mul3A : i32
    %add3A = arith.constant 4 : i32
    %add3A_1 = arith.addi %mul3A_0, %add3A : i32
    %get3A = arith.index_cast %add3A_1 : i32 to index
    %get3A_2 = memref.load %arg1[%get3A] : memref<640xi32, #tpu.memory_space<smem>>
    %c0_i32 = arith.constant 0 : i32
    %c0_i32_3 = arith.constant 0 : i32
    %c0_i32_4 = arith.constant 0 : i32
    return %get3A_2, %c0_i32, %c0_i32_3 : i32, i32, i32
  }
  func.func @transform_5(%arg0: i32, %arg1: memref<640xi32, #tpu.memory_space<smem>>) -> (i32, i32, i32) {
    %mul3A = arith.constant 20 : i32
    %mul3A_0 = arith.muli %arg0, %mul3A : i32
    %add3A = arith.constant 5 : i32
    %add3A_1 = arith.addi %mul3A_0, %add3A : i32
    %get3A = arith.index_cast %add3A_1 : i32 to index
    %get3A_2 = memref.load %arg1[%get3A] : memref<640xi32, #tpu.memory_space<smem>>
    %c0_i32 = arith.constant 0 : i32
    %c0_i32_3 = arith.constant 0 : i32
    %c0_i32_4 = arith.constant 0 : i32
    return %get3A_2, %c0_i32, %c0_i32_3 : i32, i32, i32
  }
  func.func @transform_6(%arg0: i32, %arg1: memref<640xi32, #tpu.memory_space<smem>>) -> (i32, i32, i32) {
    %mul3A = arith.constant 20 : i32
    %mul3A_0 = arith.muli %arg0, %mul3A : i32
    %add3A = arith.constant 6 : i32
    %add3A_1 = arith.addi %mul3A_0, %add3A : i32
    %get3A = arith.index_cast %add3A_1 : i32 to index
    %get3A_2 = memref.load %arg1[%get3A] : memref<640xi32, #tpu.memory_space<smem>>
    %c0_i32 = arith.constant 0 : i32
    %c0_i32_3 = arith.constant 0 : i32
    %c0_i32_4 = arith.constant 0 : i32
    return %get3A_2, %c0_i32, %c0_i32_3 : i32, i32, i32
  }
  func.func @transform_7(%arg0: i32, %arg1: memref<640xi32, #tpu.memory_space<smem>>) -> (i32, i32, i32) {
    %mul3A = arith.constant 20 : i32
    %mul3A_0 = arith.muli %arg0, %mul3A : i32
    %add3A = arith.constant 7 : i32
    %add3A_1 = arith.addi %mul3A_0, %add3A : i32
    %get3A = arith.index_cast %add3A_1 : i32 to index
    %get3A_2 = memref.load %arg1[%get3A] : memref<640xi32, #tpu.memory_space<smem>>
    %c0_i32 = arith.constant 0 : i32
    %c0_i32_3 = arith.constant 0 : i32
    %c0_i32_4 = arith.constant 0 : i32
    return %get3A_2, %c0_i32, %c0_i32_3 : i32, i32, i32
  }
  func.func @transform_8(%arg0: i32, %arg1: memref<640xi32, #tpu.memory_space<smem>>) -> (i32, i32, i32) {
    %mul3A = arith.constant 20 : i32
    %mul3A_0 = arith.muli %arg0, %mul3A : i32
    %add3A = arith.constant 8 : i32
    %add3A_1 = arith.addi %mul3A_0, %add3A : i32
    %get3A = arith.index_cast %add3A_1 : i32 to index
    %get3A_2 = memref.load %arg1[%get3A] : memref<640xi32, #tpu.memory_space<smem>>
    %c0_i32 = arith.constant 0 : i32
    %c0_i32_3 = arith.constant 0 : i32
    %c0_i32_4 = arith.constant 0 : i32
    return %get3A_2, %c0_i32, %c0_i32_3 : i32, i32, i32
  }
  func.func @transform_9(%arg0: i32, %arg1: memref<640xi32, #tpu.memory_space<smem>>) -> (i32, i32, i32) {
    %mul3A = arith.constant 20 : i32
    %mul3A_0 = arith.muli %arg0, %mul3A : i32
    %add3A = arith.constant 9 : i32
    %add3A_1 = arith.addi %mul3A_0, %add3A : i32
    %get3A = arith.index_cast %add3A_1 : i32 to index
    %get3A_2 = memref.load %arg1[%get3A] : memref<640xi32, #tpu.memory_space<smem>>
    %c0_i32 = arith.constant 0 : i32
    %c0_i32_3 = arith.constant 0 : i32
    %c0_i32_4 = arith.constant 0 : i32
    return %get3A_2, %c0_i32, %c0_i32_3 : i32, i32, i32
  }
  func.func @transform_10(%arg0: i32, %arg1: memref<640xi32, #tpu.memory_space<smem>>) -> (i32, i32, i32) {
    %mul3A = arith.constant 20 : i32
    %mul3A_0 = arith.muli %arg0, %mul3A : i32
    %add3A = arith.constant 10 : i32
    %add3A_1 = arith.addi %mul3A_0, %add3A : i32
    %get3A = arith.index_cast %add3A_1 : i32 to index
    %get3A_2 = memref.load %arg1[%get3A] : memref<640xi32, #tpu.memory_space<smem>>
    %c0_i32 = arith.constant 0 : i32
    %c0_i32_3 = arith.constant 0 : i32
    %c0_i32_4 = arith.constant 0 : i32
    return %get3A_2, %c0_i32, %c0_i32_3 : i32, i32, i32
  }
  func.func @transform_11(%arg0: i32, %arg1: memref<640xi32, #tpu.memory_space<smem>>) -> (i32, i32, i32) {
    %mul3A = arith.constant 20 : i32
    %mul3A_0 = arith.muli %arg0, %mul3A : i32
    %add3A = arith.constant 11 : i32
    %add3A_1 = arith.addi %mul3A_0, %add3A : i32
    %get3A = arith.index_cast %add3A_1 : i32 to index
    %get3A_2 = memref.load %arg1[%get3A] : memref<640xi32, #tpu.memory_space<smem>>
    %c0_i32 = arith.constant 0 : i32
    %c0_i32_3 = arith.constant 0 : i32
    %c0_i32_4 = arith.constant 0 : i32
    return %get3A_2, %c0_i32, %c0_i32_3 : i32, i32, i32
  }
  func.func @transform_12(%arg0: i32, %arg1: memref<640xi32, #tpu.memory_space<smem>>) -> (i32, i32, i32) {
    %mul3A = arith.constant 20 : i32
    %mul3A_0 = arith.muli %arg0, %mul3A : i32
    %add3A = arith.constant 12 : i32
    %add3A_1 = arith.addi %mul3A_0, %add3A : i32
    %get3A = arith.index_cast %add3A_1 : i32 to index
    %get3A_2 = memref.load %arg1[%get3A] : memref<640xi32, #tpu.memory_space<smem>>
    %c0_i32 = arith.constant 0 : i32
    %c0_i32_3 = arith.constant 0 : i32
    %c0_i32_4 = arith.constant 0 : i32
    return %get3A_2, %c0_i32, %c0_i32_3 : i32, i32, i32
  }
  func.func @transform_13(%arg0: i32, %arg1: memref<640xi32, #tpu.memory_space<smem>>) -> (i32, i32, i32) {
    %mul3A = arith.constant 20 : i32
    %mul3A_0 = arith.muli %arg0, %mul3A : i32
    %add3A = arith.constant 13 : i32
    %add3A_1 = arith.addi %mul3A_0, %add3A : i32
    %get3A = arith.index_cast %add3A_1 : i32 to index
    %get3A_2 = memref.load %arg1[%get3A] : memref<640xi32, #tpu.memory_space<smem>>
    %c0_i32 = arith.constant 0 : i32
    %c0_i32_3 = arith.constant 0 : i32
    %c0_i32_4 = arith.constant 0 : i32
    return %get3A_2, %c0_i32, %c0_i32_3 : i32, i32, i32
  }
  func.func @transform_14(%arg0: i32, %arg1: memref<640xi32, #tpu.memory_space<smem>>) -> (i32, i32, i32) {
    %mul3A = arith.constant 20 : i32
    %mul3A_0 = arith.muli %arg0, %mul3A : i32
    %add3A = arith.constant 14 : i32
    %add3A_1 = arith.addi %mul3A_0, %add3A : i32
    %get3A = arith.index_cast %add3A_1 : i32 to index
    %get3A_2 = memref.load %arg1[%get3A] : memref<640xi32, #tpu.memory_space<smem>>
    %c0_i32 = arith.constant 0 : i32
    %c0_i32_3 = arith.constant 0 : i32
    %c0_i32_4 = arith.constant 0 : i32
    return %get3A_2, %c0_i32, %c0_i32_3 : i32, i32, i32
  }
  func.func @transform_15(%arg0: i32, %arg1: memref<640xi32, #tpu.memory_space<smem>>) -> (i32, i32, i32) {
    %mul3A = arith.constant 20 : i32
    %mul3A_0 = arith.muli %arg0, %mul3A : i32
    %add3A = arith.constant 15 : i32
    %add3A_1 = arith.addi %mul3A_0, %add3A : i32
    %get3A = arith.index_cast %add3A_1 : i32 to index
    %get3A_2 = memref.load %arg1[%get3A] : memref<640xi32, #tpu.memory_space<smem>>
    %c0_i32 = arith.constant 0 : i32
    %c0_i32_3 = arith.constant 0 : i32
    %c0_i32_4 = arith.constant 0 : i32
    return %get3A_2, %c0_i32, %c0_i32_3 : i32, i32, i32
  }
  func.func @transform_16(%arg0: i32, %arg1: memref<640xi32, #tpu.memory_space<smem>>) -> (i32, i32, i32) {
    %mul3A = arith.constant 20 : i32
    %mul3A_0 = arith.muli %arg0, %mul3A : i32
    %add3A = arith.constant 16 : i32
    %add3A_1 = arith.addi %mul3A_0, %add3A : i32
    %get3A = arith.index_cast %add3A_1 : i32 to index
    %get3A_2 = memref.load %arg1[%get3A] : memref<640xi32, #tpu.memory_space<smem>>
    %c0_i32 = arith.constant 0 : i32
    %c0_i32_3 = arith.constant 0 : i32
    %c0_i32_4 = arith.constant 0 : i32
    return %get3A_2, %c0_i32, %c0_i32_3 : i32, i32, i32
  }
  func.func @transform_17(%arg0: i32, %arg1: memref<640xi32, #tpu.memory_space<smem>>) -> (i32, i32, i32) {
    %mul3A = arith.constant 20 : i32
    %mul3A_0 = arith.muli %arg0, %mul3A : i32
    %add3A = arith.constant 17 : i32
    %add3A_1 = arith.addi %mul3A_0, %add3A : i32
    %get3A = arith.index_cast %add3A_1 : i32 to index
    %get3A_2 = memref.load %arg1[%get3A] : memref<640xi32, #tpu.memory_space<smem>>
    %c0_i32 = arith.constant 0 : i32
    %c0_i32_3 = arith.constant 0 : i32
    %c0_i32_4 = arith.constant 0 : i32
    return %get3A_2, %c0_i32, %c0_i32_3 : i32, i32, i32
  }
  func.func @transform_18(%arg0: i32, %arg1: memref<640xi32, #tpu.memory_space<smem>>) -> (i32, i32, i32) {
    %mul3A = arith.constant 20 : i32
    %mul3A_0 = arith.muli %arg0, %mul3A : i32
    %add3A = arith.constant 18 : i32
    %add3A_1 = arith.addi %mul3A_0, %add3A : i32
    %get3A = arith.index_cast %add3A_1 : i32 to index
    %get3A_2 = memref.load %arg1[%get3A] : memref<640xi32, #tpu.memory_space<smem>>
    %c0_i32 = arith.constant 0 : i32
    %c0_i32_3 = arith.constant 0 : i32
    %c0_i32_4 = arith.constant 0 : i32
    return %get3A_2, %c0_i32, %c0_i32_3 : i32, i32, i32
  }
  func.func @transform_19(%arg0: i32, %arg1: memref<640xi32, #tpu.memory_space<smem>>) -> (i32, i32, i32) {
    %mul3A = arith.constant 20 : i32
    %mul3A_0 = arith.muli %arg0, %mul3A : i32
    %add3A = arith.constant 19 : i32
    %add3A_1 = arith.addi %mul3A_0, %add3A : i32
    %get3A = arith.index_cast %add3A_1 : i32 to index
    %get3A_2 = memref.load %arg1[%get3A] : memref<640xi32, #tpu.memory_space<smem>>
    %c0_i32 = arith.constant 0 : i32
    %c0_i32_3 = arith.constant 0 : i32
    %c0_i32_4 = arith.constant 0 : i32
    return %get3A_2, %c0_i32, %c0_i32_3 : i32, i32, i32
  }
  func.func @transform_20(%arg0: i32, %arg1: memref<640xi32, #tpu.memory_space<smem>>) -> (i32, i32) {
    %c0_i32 = arith.constant 0 : i32
    %c0_i32_0 = arith.constant 0 : i32
    return %arg0, %c0_i32 : i32, i32
  }
  func.func @transform_21(%arg0: i32, %arg1: memref<640xi32, #tpu.memory_space<smem>>) -> (i32, i32, i32, i32) {
    %c0_i32 = arith.constant 0 : i32
    %c0_i32_0 = arith.constant 0 : i32
    %c0_i32_1 = arith.constant 0 : i32
    %c0_i32_2 = arith.constant 0 : i32
    return %arg0, %c0_i32, %c0_i32_0, %c0_i32_1 : i32, i32, i32, i32
  }
}

module attributes {stable_mosaic.version = 14 : i64} {
  func.func @_out_body(%arg0: memref<128x5xf32, #tpu.memory_space<vmem>>, %arg1: memref<128x5xi32, #tpu.memory_space<vmem>>, %arg2: memref<128x151xf32, #tpu.memory_space<vmem>>, %arg3: memref<128x151xf32, #tpu.memory_space<vmem>>) attributes {dimension_semantics = [], scalar_prefetch = 0 : i64, scratch_operands = 0 : i64, tpu.core_type = #tpu.core_type<tc>} {
    %iota3A = tpu.iota {dimensions = array<i32: 1>} : vector<128x151xi32>
    %broadcast_in_dim3A = arith.constant 0.000000e+00 : f32
    %broadcast_in_dim3A_0 = vector.broadcast %broadcast_in_dim3A : f32 to vector<128x151xf32>
    %get3A = arith.constant 0 : index
    %get3A_1 = arith.constant 0 : index
    %get3A_2 = vector.load %arg1[%get3A, %get3A_1] : memref<128x5xi32, #tpu.memory_space<vmem>>, vector<128x1xi32>
    %eq3A = vector.broadcast %get3A_2 : vector<128x1xi32> to vector<128x151xi32>
    %eq3A_3 = arith.cmpi eq, %eq3A, %iota3A : vector<128x151xi32>
    %convert_element_type3A = arith.extui %eq3A_3 : vector<128x151xi1> to vector<128x151xi32>
    %convert_element_type3A_4 = arith.sitofp %convert_element_type3A : vector<128x151xi32> to vector<128x151xf32>
    %get3A_5 = arith.constant 0 : index
    %get3A_6 = arith.constant 0 : index
    %get3A_7 = vector.load %arg0[%get3A_5, %get3A_6] : memref<128x5xf32, #tpu.memory_space<vmem>>, vector<128x1xf32>
    %mul3A = vector.broadcast %get3A_7 : vector<128x1xf32> to vector<128x151xf32>
    %mul3A_8 = arith.mulf %mul3A, %convert_element_type3A_4 : vector<128x151xf32>
    %add3A = arith.addf %broadcast_in_dim3A_0, %mul3A_8 : vector<128x151xf32>
    %get3A_9 = arith.constant 0 : index
    %get3A_10 = arith.constant 1 : index
    %get3A_11 = vector.load %arg1[%get3A_9, %get3A_10] : memref<128x5xi32, #tpu.memory_space<vmem>>, vector<128x1xi32>
    %eq3A_12 = vector.broadcast %get3A_11 : vector<128x1xi32> to vector<128x151xi32>
    %eq3A_13 = arith.cmpi eq, %eq3A_12, %iota3A : vector<128x151xi32>
    %convert_element_type3A_14 = arith.extui %eq3A_13 : vector<128x151xi1> to vector<128x151xi32>
    %convert_element_type3A_15 = arith.sitofp %convert_element_type3A_14 : vector<128x151xi32> to vector<128x151xf32>
    %get3A_16 = arith.constant 0 : index
    %get3A_17 = arith.constant 1 : index
    %get3A_18 = vector.load %arg0[%get3A_16, %get3A_17] : memref<128x5xf32, #tpu.memory_space<vmem>>, vector<128x1xf32>
    %mul3A_19 = vector.broadcast %get3A_18 : vector<128x1xf32> to vector<128x151xf32>
    %mul3A_20 = arith.mulf %mul3A_19, %convert_element_type3A_15 : vector<128x151xf32>
    %add3A_21 = arith.addf %add3A, %mul3A_20 : vector<128x151xf32>
    %get3A_22 = arith.constant 0 : index
    %get3A_23 = arith.constant 2 : index
    %get3A_24 = vector.load %arg1[%get3A_22, %get3A_23] : memref<128x5xi32, #tpu.memory_space<vmem>>, vector<128x1xi32>
    %eq3A_25 = vector.broadcast %get3A_24 : vector<128x1xi32> to vector<128x151xi32>
    %eq3A_26 = arith.cmpi eq, %eq3A_25, %iota3A : vector<128x151xi32>
    %convert_element_type3A_27 = arith.extui %eq3A_26 : vector<128x151xi1> to vector<128x151xi32>
    %convert_element_type3A_28 = arith.sitofp %convert_element_type3A_27 : vector<128x151xi32> to vector<128x151xf32>
    %get3A_29 = arith.constant 0 : index
    %get3A_30 = arith.constant 2 : index
    %get3A_31 = vector.load %arg0[%get3A_29, %get3A_30] : memref<128x5xf32, #tpu.memory_space<vmem>>, vector<128x1xf32>
    %mul3A_32 = vector.broadcast %get3A_31 : vector<128x1xf32> to vector<128x151xf32>
    %mul3A_33 = arith.mulf %mul3A_32, %convert_element_type3A_28 : vector<128x151xf32>
    %add3A_34 = arith.addf %add3A_21, %mul3A_33 : vector<128x151xf32>
    %get3A_35 = arith.constant 0 : index
    %get3A_36 = arith.constant 3 : index
    %get3A_37 = vector.load %arg1[%get3A_35, %get3A_36] : memref<128x5xi32, #tpu.memory_space<vmem>>, vector<128x1xi32>
    %eq3A_38 = vector.broadcast %get3A_37 : vector<128x1xi32> to vector<128x151xi32>
    %eq3A_39 = arith.cmpi eq, %eq3A_38, %iota3A : vector<128x151xi32>
    %convert_element_type3A_40 = arith.extui %eq3A_39 : vector<128x151xi1> to vector<128x151xi32>
    %convert_element_type3A_41 = arith.sitofp %convert_element_type3A_40 : vector<128x151xi32> to vector<128x151xf32>
    %get3A_42 = arith.constant 0 : index
    %get3A_43 = arith.constant 3 : index
    %get3A_44 = vector.load %arg0[%get3A_42, %get3A_43] : memref<128x5xf32, #tpu.memory_space<vmem>>, vector<128x1xf32>
    %mul3A_45 = vector.broadcast %get3A_44 : vector<128x1xf32> to vector<128x151xf32>
    %mul3A_46 = arith.mulf %mul3A_45, %convert_element_type3A_41 : vector<128x151xf32>
    %add3A_47 = arith.addf %add3A_34, %mul3A_46 : vector<128x151xf32>
    %get3A_48 = arith.constant 0 : index
    %get3A_49 = arith.constant 4 : index
    %get3A_50 = vector.load %arg1[%get3A_48, %get3A_49] : memref<128x5xi32, #tpu.memory_space<vmem>>, vector<128x1xi32>
    %eq3A_51 = vector.broadcast %get3A_50 : vector<128x1xi32> to vector<128x151xi32>
    %eq3A_52 = arith.cmpi eq, %eq3A_51, %iota3A : vector<128x151xi32>
    %convert_element_type3A_53 = arith.extui %eq3A_52 : vector<128x151xi1> to vector<128x151xi32>
    %convert_element_type3A_54 = arith.sitofp %convert_element_type3A_53 : vector<128x151xi32> to vector<128x151xf32>
    %get3A_55 = arith.constant 0 : index
    %get3A_56 = arith.constant 4 : index
    %get3A_57 = vector.load %arg0[%get3A_55, %get3A_56] : memref<128x5xf32, #tpu.memory_space<vmem>>, vector<128x1xf32>
    %mul3A_58 = vector.broadcast %get3A_57 : vector<128x1xf32> to vector<128x151xf32>
    %mul3A_59 = arith.mulf %mul3A_58, %convert_element_type3A_54 : vector<128x151xf32>
    %add3A_60 = arith.addf %add3A_47, %mul3A_59 : vector<128x151xf32>
    %get3A_61 = arith.constant 0 : index
    %get3A_62 = arith.constant 0 : index
    %get3A_63 = vector.load %arg2[%get3A_61, %get3A_62] : memref<128x151xf32, #tpu.memory_space<vmem>>, vector<128x151xf32>
    %mul3A_64 = arith.constant 1.000000e+04 : f32
    %mul3A_65 = vector.broadcast %mul3A_64 : f32 to vector<128x151xf32>
    %mul3A_66 = arith.mulf %mul3A_65, %add3A_60 : vector<128x151xf32>
    %add3A_67 = arith.addf %get3A_63, %mul3A_66 : vector<128x151xf32>
    %div3A = arith.constant 1.000100e+04 : f32
    %div3A_68 = vector.broadcast %div3A : f32 to vector<128x151xf32>
    %div3A_69 = arith.divf %add3A_67, %div3A_68 : vector<128x151xf32>
    %swap3A = arith.constant 0 : index
    %swap3A_70 = arith.constant 0 : index
    %swap3A_71 = vector.load %arg3[%swap3A, %swap3A_70] : memref<128x151xf32, #tpu.memory_space<vmem>>, vector<128x151xf32>
    tpu.vector_store %arg3[%swap3A, %swap3A_70], %div3A_69 {strides = array<i32>} : memref<128x151xf32, #tpu.memory_space<vmem>>, vector<128x151xf32>,
    return
  }
}

</mosaic_0001>

<sc_bundles>
// kernel: kernel.6.cloned.1.call-start
scs
__scs_entry_jumppad:
0x0: {  	(pc) =	sbr.rel $0x88, $3  }
0x1: {  	(tag) =	ssettag $0x0;
	lr =	simm.s32 $0x1  }
0x2: {  	[smem:$0x3F9E] =	sst lr;
	_ =	strace $0xD0000000  }
0x3: {  	_ = 	snop  }
0x4: {  	_ = 	snop  }
0x5: {  	_ = 	snop  }
0x6: {  	_ = 	snop  }
0x7: {  	_ = 	snop  }
__scs_overlays_trampoline_lowered:
0x8: {  	[smem:$0x3FAD] =	sst s0  }
0x9: {  	[smem:$0x3FAE] =	sst s1  }
0xa: {  	[smem:$0x3FAF] =	sst s2  }
0xb: {  	[smem:$0x3FB0] =	sst s3  }
0xc: {  	[smem:$0x3FB1] =	sst s4  }
0xd: {  	[smem:$0x3FB2] =	sst s5  }
0xe: {  	[smem:$0x3FB3] =	sst s6  }
0xf: {  	[smem:$0x3FB4] =	sst s7  }
0x10: {  	[smem:$0x3FB5] =	sst s8  }
0x11: {  	[smem:$0x3FB6] =	sst s9;
	s0 =	simm.s32 @!p0 $0x0  }
0x12: {  	s1 =	sld [smem:$0x3F9C];
	s0 =	simm.s32 @p0 $0x1  }
0x13: {  	[smem:$0x3FB7] =	sst s0;
	s0 =	simm.s32 @!p1 $0x0  }
0x14: {  	s2 =	sld [smem:$0x3F9B];
	s0 =	simm.s32 @p1 $0x1  }
0x15: {  	[smem:$0x3FB8] =	sst s0;
	s0 =	simm.s32 @!p2 $0x0  }
0x16: {  	s3 =	sld [smem:$0x3FDB];
	s0 =	simm.s32 @p2 $0x1  }
0x17: {  	s4 =	simm.s32 $0x1BF5;
	[smem:$0x3FBA] =	sst s0  }
0x18: {  	s0 =	sld [smem:$0x3F9D];
	_ =	swait.ge [sflag:s4], $0x0  }
0x19: {  	s7 =	sld [smem:$0x3F9E]  }
0x1a: {  	s8 =	sadd.s32 $0xFFFFE003, lr  }
0x1b: {  	s9 =	sadd.s32 $0xFFFFFEF7, lr;
	s5 =	simm.s32 $0xFFFFFFFF;
	p2 =	slt.u32 s8, $0xFFFFF086  }
0x1c: {  	p1 =	slt.u32 s9, $0xF7A;
	s5 =	simm.s32 @!p2 $0x0  }
0x1d: {  	s5 =	simm.s32 @p1 $0x1;
	p0 =	seq.s32 s7, s2  }
0x1e: {  	s7 =	smul.u32 @!p0 $0xF7A, s2;
	p2 =	seq.s32 @!p0 s5, $0x0  }
0x1f: {  	s9 =	smul.u32 $0xF7A, s1;
	s8 =	simm.s32 @!p0 $0x1BF5;
	p2 =	por !p2, p0  }
0x20: {  	[sflag:s8] =	ssyncset.s32 @!p0 $0xFFFFF086;
	s6 =	sadd.s32 @!p0 s3, s7;
	s7 =	simm.s32 @!p0 $0x108  }
0x21: {  	s3 =	sadd.s32 s3, s9;
	s6 =	sadd.s32 @!p0 $0x88, s6;
	s7 =	simm.s32 @p2 $0x1082  }
0x22: {  	[simem:s7], [sflag:s8] =	dma.local @!p0 [hbm:s6], $0xF7A  }
0x23: {  	s9 =	sor.u32 $0xD0000000, s2;
	s6 =	simm.s32 $0x108;
	_ =	swait.ge @!p0 [sflag:s8], $0x0  }
0x24: {  	s3 =	sadd.s32 $0x88, s3;
	s6 =	simm.s32 @!p1 $0x1082;
	[sflag:s4] =	ssyncset.s32 $0xFFFFF086  }
0x25: {  	[simem:s6], [sflag:s4] =	dma.local [hbm:s3], $0xF7A  }
0x26: {  	[smem:$0x3F9E] =	sst s1;
	(tag) =	ssettag s2;
	_ =	strace s9  }
0x27: {  	s1 =	sld [smem:$0x3FAE]  }
0x28: {  	s2 =	sld [smem:$0x3FAF]  }
0x29: {  	s4 =	sld [smem:$0x3FB1]  }
0x2a: {  	p0 =	seq.s32 s5, $0x0;
	s5 =	sld [smem:$0x3FB2]  }
0x2b: {  	s6 =	sld [smem:$0x3FB3]  }
0x2c: {  	s7 =	sld [smem:$0x3FB4]  }
0x2d: {  	s3 =	simm.s32 $0x108;
	s8 =	sld [smem:$0x3FB5]  }
0x2e: {  	s3 =	simm.s32 @!p0 $0x1082;
	s9 =	sld [smem:$0x3FB6]  }
0x2f: {  	lr =	sadd.s32 s0, s3;
	s0 =	sld [smem:$0x3FAD]  }
0x30: {  	s3 =	sld [smem:$0x3FB0]  }
0x31: {  	[smem:$0x3FB9] =	sst s10  }
0x32: {  	s10 =	sld [smem:$0x3FB7];
	_ =	sdelay $0x3  }
0x33: {  	p0 =	seq.s32 s10, $0x1;
	s10 =	sld [smem:$0x3FB9];
	_ =	sdelay $0x3  }
0x34: {  	[smem:$0x3FB9] =	sst s10  }
0x35: {  	s10 =	sld [smem:$0x3FB8];
	_ =	sdelay $0x3  }
0x36: {  	p1 =	seq.s32 s10, $0x1;
	s10 =	sld [smem:$0x3FB9];
	_ =	sdelay $0x3  }
0x37: {  	[smem:$0x3FB9] =	sst s10  }
0x38: {  	s10 =	sld [smem:$0x3FBA]  }
0x39: {  	_ = 	snop;
	(pc) =	sbr.ind lr, $3  }
0x3a: {  	_ = 	snop  }
0x3b: {  	_ = 	snop  }
0x3c: {  	p2 =	seq.s32 s10, $0x1;
	s10 =	sld [smem:$0x3FB9]  }
0x3d: {  	_ =	shalt  }
0x3e: {  	_ =	shalt  }
0x3f: {  	_ =	shalt  }
0x40: {  	_ =	shalt  }
0x41: {  	_ =	shalt  }
0x42: {  	_ =	shalt  }
0x43: {  	_ =	shalt  }
0x44: {  	_ =	shalt  }
0x45: {  	_ =	shalt  }
0x46: {  	_ =	shalt  }
0x47: {  	_ =	shalt  }
0x48: {  	_ =	shalt  }
0x49: {  	_ =	shalt  }
0x4a: {  	_ =	shalt  }
0x4b: {  	_ =	shalt  }
0x4c: {  	_ =	shalt  }
0x4d: {  	_ =	shalt  }
0x4e: {  	_ =	shalt  }
0x4f: {  	_ =	shalt  }
0x50: {  	_ =	shalt  }
0x51: {  	_ =	shalt  }
0x52: {  	_ =	shalt  }
0x53: {  	_ =	shalt  }
0x54: {  	_ =	shalt  }
0x55: {  	_ =	shalt  }
0x56: {  	_ =	shalt  }
0x57: {  	_ =	shalt  }
0x58: {  	_ =	shalt  }
0x59: {  	_ =	shalt  }
0x5a: {  	_ =	shalt  }
0x5b: {  	_ =	shalt  }
0x5c: {  	_ =	shalt  }
0x5d: {  	_ =	shalt  }
0x5e: {  	_ =	shalt  }
0x5f: {  	_ =	shalt  }
0x60: {  	_ =	shalt  }
0x61: {  	_ =	shalt  }
0x62: {  	_ =	shalt  }
0x63: {  	_ =	shalt  }
0x64: {  	_ =	shalt  }
0x65: {  	_ =	shalt  }
0x66: {  	_ =	shalt  }
0x67: {  	_ =	shalt  }
0x68: {  	_ =	shalt  }
0x69: {  	_ =	shalt  }
0x6a: {  	_ =	shalt  }
0x6b: {  	_ =	shalt  }
0x6c: {  	_ =	shalt  }
0x6d: {  	_ =	shalt  }
0x6e: {  	_ =	shalt  }
0x6f: {  	_ =	shalt  }
0x70: {  	_ =	shalt  }
0x71: {  	_ =	shalt  }
0x72: {  	_ =	shalt  }
0x73: {  	_ =	shalt  }
0x74: {  	_ =	shalt  }
0x75: {  	_ =	shalt  }
0x76: {  	_ =	shalt  }
0x77: {  	_ =	shalt  }
0x78: {  	_ =	shalt  }
0x79: {  	_ =	shalt  }
0x7a: {  	_ =	shalt  }
0x7b: {  	_ =	shalt  }
0x7c: {  	_ =	shalt  }
0x7d: {  	_ =	shalt  }
0x7e: {  	_ =	shalt  }
0x7f: {  	_ =	shalt  }
0x80: {  	_ =	shalt  }
0x81: {  	_ =	shalt  }
0x82: {  	_ =	shalt  }
0x83: {  	_ =	shalt  }
0x84: {  	_ =	shalt  }
0x85: {  	_ =	shalt  }
0x86: {  	_ =	shalt  }
0x87: {  	_ =	shalt  }
.Lfunc_end0:
.L_simem_size_0:
called_computation.1_lowered:
.L_overlay_start_0:
0x88: {  	s2 =	sld [smem:$0x3FD9]  }
0x89: {  	s3 =	sld [smem:$0x3FFE];
	_ =	sdelay $0x1  }
0x8a: {  	s1 =	srdreg.scid  }
0x8b: {  	s0 =	sand.u32 $0x1, s1  }
0x8c: {  	s17 =	sshll.u32 s0, $0xA;
	s2 =	sadd.s32 s3, s2  }
0x8d: {  	s2 =	sadd.s32 s2, s17  }
0x8e: {  	[smem:$0x3FC5] =	sst s2  }
0x8f: {  	_ = 	snop  }
0x90: {  	s2 =	sld [smem:$0x3FD0];
	(tm) =	ssettm $0x1  }
0x91: {  	s18 =	sld [smem:$0x3FFB];
	_ =	sdelay $0x3  }
0x92: {  	_ =	strace s18  }
0x93: {  	s3 =	sld [smem:$0x3FFC];
	_ =	sdelay $0x3  }
0x94: {  	_ =	strace s3  }
0x95: {  	s3 =	sld [smem:$0x3FFD];
	_ =	sdelay $0x3  }
0x96: {  	_ =	strace s3  }
0x97: {  	_ =	strace $0x8FFFFFFF  }
0x98: {  	s19 =	sld [smem:$0x3FDB];
	_ =	sdelay $0x1  }
0x99: {  	s4 =	simm.s32 $_scs_section_size  }
0x9a: {  	s5 =	simm.s32 $_size__tile_overlayer_lowered;
	s6 =	simm.s32 $_tile_overlayer_lowered  }
0x9b: {  	s22 =	simm.s32 $0x1BFF;
	s21 =	sshll.u32 s6, $0x1;
	s3 =	sadd.s32 s4, s19  }
0x9c: {  	s7 =	simm.s32 $0x0;
	s20 =	sshll.u32 s5, $0x1;
	s5 =	sadd.s32 s21, s3  }
0x9d: {  	[timem:s7], [sflag:s22] =	dma.local [hbm:s5], s20  }
0x9e: {  	_ =	swait.ge [sflag:s22], s20  }
0x9f: {  	s4 =	ssub.s32 $0x0, s20;
	[sflag:s22] =	ssyncset.done $0x0  }
0xa0: {  	[sflag:s22] =	ssyncadd.s32 s4;
	_ =	sdelay $0x1  }
0xa1: {  	s23 =	simm.s32 $0x1B8B  }
0xa2: {  	_ =	swait.ge [sflag:s23], $0x1  }
0xa3: {  	[sflag:s23] =	ssyncset.done $0x0  }
0xa4: {  	s25 =	simm.s32 $0x1B8E;
	s24 =	sld [smem:$0x3FFE];
	[sflag:s23] =	ssyncadd.s32 $0xFFFFFFFF  }
0xa5: {  	s26 =	simm.s32 $execute0_lowered;
	[smem:$0x3FD2] =	sst s25  }
0xa6: {  	s5 =	sshll.u32 s26, $0x1;
	_ =	strace $0x80000049;
	[dreg:$0x1] =	wrdreg $0xFFFFFFFF  }
0xa7: {  	s28 =	simm.s32 $_size_execute0_lowered;
	s3 =	sadd.s32 s3, s5;
	[dreg:$0x0] =	wrdreg $0x0  }
0xa8: {  	s5 =	sshll.u32 s28, $0x1;
	[dreg:$0x2] =	wrdreg s3  }
0xa9: {  	[dreg:$0x3] =	wrdreg s5  }
0xaa: {  	[dreg:$0x4] =	wrdreg $0xC0  }
0xab: {  	_ =	task [dreg:s7], $0x5FFFF  }
0xac: {  	[dreg:$0x1] =	wrdreg $0xFFFFFFFF  }
0xad: {  	[dreg:$0x0] =	wrdreg $0x60  }
0xae: {  	[dreg:$0x2] =	wrdreg s24  }
0xaf: {  	[dreg:$0x3] =	wrdreg s2  }
0xb0: {  	[dreg:$0x4] =	wrdreg $0x9  }
0xb1: {  	_ =	task.clear_ibuf [dreg:s7], $0x5FFFF;
	_ =	strace $0x90000049  }
0xb2: {  	s29 =	simm.s32 $0x9;
	_ =	strace $0x8000004B  }
0xb3: {  	_ =	swait.ge [sflag:s29], $0x1  }
0xb4: {  	[sflag:s29] =	ssyncadd.s32 $0xFFFFFFFF  }
0xb5: {  	_ =	strace $0x9000004B  }
0xb6: {  	_ =	sfence  }
0xb7: {  	s30 =	sld [smem:$0x0];
	_ =	sdelay $0x2  }
0xb8: {  	s31 =	sshll.u32 s1, $0xD;
	s1 =	sshrl.u32 s1, $0x2  }
0xb9: {  	s3 =	sand.u32 $0x4000, s31;
	s1 =	sadd.s32 s1, s30  }
0xba: {  	s0 =	sor.u32 s3, s0;
	s1 =	sshll.u32 s1, $0x11  }
0xbb: {  	s0 =	sor.u32 s1, s0  }
0xbc: {  	s0 =	sadd.s32 $0x8F2B, s0  }
0xbd: {  	[sflag:s0] =	ssyncadd.remote.s32 $0x1  }
0xbe: {  	_ =	sfence.sel $0xFFFF  }
0xbf: {  	[dreg:$0x0] =	wrdreg $0xFFFFFFFF;
	(pc) =	sbr.abs _section_cstart, $3  }
0xc0: {  	[dreg:$0x1] =	wrdreg $0xFFFFFFFF  }
0xc1: {  	_ =	task.clear_ibuf [dreg:s7], $0x2FFFF;
	_ =	strace $0x9FFFFFFF  }
0xc2: {  	(tm) =	ssettm $0x7FFFFFFF  }
0xc3: {  	_ =	shalt  }
tec
execute0_lowered:
.L_overlay_start_1:
0x0: {  	(tag) =	ssettag $0x1  }
0x1: {  	s1 =	srdreg.scid;
	s7 =	rddreg [dreg:$0x0]  }
0x2: {  	s0 =	stileid.u32;
	s2 =	rddreg [dreg:$0x1];
	s4 =	simm.s32 $0x0  }
0x3: {  	s6 =	sand.u32 $0x1, s1;
	s28 =	sshll.u32 s0, $0x1;
	s10 =	smul.u32 $0x28, s0  }
0x4: {  	s15 =	simm.s32 $0x4E00;
	s13 =	smul.u32 $0x1400, s0;
	s5 =	sor.u32 s6, s28  }
0x5: {  	s16 =	simm.s32 $0x1;
	s17 =	simm.s32 $0x2;
	s3 =	smul.u32 $0x14, s5  }
0x6: {  	s18 =	simm.s32 $0x9980;
	s19 =	simm.s32 $0x0;
	s11 =	smul.u32 $0x14, s6  }
0x7: {  	[smem:$0x7FF] =	sst s4;
	s8 =	smul.u32 $0x640, s5;
	s29 =	sshrl.u32 s3, $0x3  }
0x8: {  	s1 =	rddreg [dreg:$0x2];
	_ =	strace $0x8000004A;
	s9 =	smul.u32 $0x25C00, s29  }
0x9: {  	s30 =	sshll.u32 s6, $0x9;
	s12 =	ssub.s32 $0x2, s6;
	s14 =	smul.u32 $0xA00, s6  }
0xa: {  	s5 =	sadd.s32 $0x17E000, s7;
	s7 =	sadd.s32 s8, s7;
	s8 =	sor.u32 s30, s9  }
0xb: {  	s31 =	sshrl.u32 s12, $0x1;
	s7 =	sadd.s32 $0x2000, s7;
	s8 =	sshrl.u32 s8, $0x3  }
0xc: {  	s9 =	ssub.s32 s12, s31;
	s12 =	simm.s32 $0x80;
	s6 =	sadd.s32 s5, s8  }
0xd: {  	s8 =	smax.u32 s9, $0x1;
	s9 =	sadd.s32 s11, s10;
	s10 =	sadd.s32 s14, s13  }
0xe: {  	s11 =	simm.s32 $0x3;
	s13 =	simm.s32 $0x400;
	s14 =	simm.s32 $0x280  }
.LBB2_1:
0xf: {  	[tilespmem:s4], [sflag:$0x3] =	stream.linear.gather [hbm4b:s2+s4], $0x280, $0x38;
	[tilespmem:$0xCB80] =	vst v63  }
0x10: {  	_ =	swait.ge [sflag:s11], $0x280  }
0x11: {  	s20 =	simm.s32 $0x9C00;
	[sflag:s11] =	ssyncset.done $0x0  }
0x12: {  	s21 =	smov.u32 s10;
	s22 =	simm.s32 $0x2;
	[sflag:s11] =	ssyncadd.s32 $0xFFFFFD80  }
0x13: {  	[tilespmem:s14], [sflag:$0x1] =	stream.strided.gather [hbm4b:s6+s12], $0x4B80, s13, s12, $0x38;
	[tilespmem:$0xCB80] =	vst v63  }
.LBB2_2:
0x14: {  	s23 =	sadd.s32 s22, s9  }
0x15: {  	s23 =	sadd.s32 $0xFFFFFFFE, s23  }
0x16: {  	s23 =	sshrl.u32 s23, $0x3  }
0x17: {  	s23 =	smul.u32 $0x25C00, s23  }
0x18: {  	s24 =	sand.u32 $0x300, s21  }
0x19: {  	s23 =	sor.u32 s23, s24  }
0x1a: {  	s23 =	sshrl.u32 s23, $0x3  }
0x1b: {  	s23 =	sadd.s32 s23, s5  }
0x1c: {  	s23 =	sadd.s32 $0x10, s23  }
0x1d: {  	[tilespmem:s15], [sflag:$0x2] =	stream.strided.gather [hbm4b:s23+s12], $0x4B80, s13, s12, $0x38;
	[tilespmem:$0xCB80] =	vst v63  }
0x1e: {  	_ =	swait.ge [sflag:s16], $0x4B80  }
0x1f: {  	[sflag:s16] =	ssyncset.done $0x0  }
0x20: {  	[sflag:s16] =	ssyncadd.s32 $0xFFFFB480  }
0x21: {  	v0 =	vld [tilespmem:$0x0];
	_ =	sdelay $0x7  }
0x22: {  	v0 =	vld.idx.msk [tilespmem:v0+s14+$0x0], $0xffff;
	_ =	sdelay $0x4  }
0x23: {  	[tilespmem:s20+$0xFFFFFD80] =	vst v0  }
0x24: {  	v0 =	vld [tilespmem:$0x10];
	_ =	sdelay $0x7  }
0x25: {  	v0 =	vld.idx.msk [tilespmem:v0+s14+$0x0], $0xffff;
	_ =	sdelay $0x4  }
0x26: {  	[tilespmem:s20+$0xFFFFFD90] =	vst v0  }
0x27: {  	v0 =	vld [tilespmem:$0x20];
	_ =	sdelay $0x7  }
0x28: {  	v0 =	vld.idx.msk [tilespmem:v0+s14+$0x0], $0xffff;
	_ =	sdelay $0x4  }
0x29: {  	[tilespmem:s20+$0xFFFFFDA0] =	vst v0  }
0x2a: {  	v0 =	vld [tilespmem:$0x30];
	_ =	sdelay $0x7  }
0x2b: {  	v0 =	vld.idx.msk [tilespmem:v0+s14+$0x0], $0xffff;
	_ =	sdelay $0x4  }
0x2c: {  	[tilespmem:s20+$0xFFFFFDB0] =	vst v0  }
0x2d: {  	v0 =	vld [tilespmem:$0x40];
	_ =	sdelay $0x7  }
0x2e: {  	v0 =	vld.idx.msk [tilespmem:v0+s14+$0x0], $0xffff;
	_ =	sdelay $0x4  }
0x2f: {  	[tilespmem:s20+$0xFFFFFDC0] =	vst v0  }
0x30: {  	v0 =	vld [tilespmem:$0x50];
	_ =	sdelay $0x7  }
0x31: {  	v0 =	vld.idx.msk [tilespmem:v0+s14+$0x0], $0xffff;
	_ =	sdelay $0x4  }
0x32: {  	[tilespmem:s20+$0xFFFFFDD0] =	vst v0  }
0x33: {  	v0 =	vld [tilespmem:$0x60];
	_ =	sdelay $0x7  }
0x34: {  	v0 =	vld.idx.msk [tilespmem:v0+s14+$0x0], $0xffff;
	_ =	sdelay $0x4  }
0x35: {  	[tilespmem:s20+$0xFFFFFDE0] =	vst v0  }
0x36: {  	v0 =	vld [tilespmem:$0x70];
	_ =	sdelay $0x7  }
0x37: {  	v0 =	vld.idx.msk [tilespmem:v0+s14+$0x0], $0xffff;
	_ =	sdelay $0x4  }
0x38: {  	[tilespmem:s20+$0xFFFFFDF0] =	vst v0  }
0x39: {  	v0 =	vld [tilespmem:$0x80];
	_ =	sdelay $0x7  }
0x3a: {  	v0 =	vld.idx.msk [tilespmem:v0+s14+$0x0], $0xffff;
	_ =	sdelay $0x4  }
0x3b: {  	[tilespmem:s20+$0xFFFFFE00] =	vst v0  }
0x3c: {  	v0 =	vld [tilespmem:$0x90];
	_ =	sdelay $0x7  }
0x3d: {  	v0 =	vld.idx.msk [tilespmem:v0+s14+$0x0], $0xffff;
	_ =	sdelay $0x4  }
0x3e: {  	[tilespmem:s20+$0xFFFFFE10] =	vst v0  }
0x3f: {  	v0 =	vld [tilespmem:$0xA0];
	_ =	sdelay $0x7  }
0x40: {  	v0 =	vld.idx.msk [tilespmem:v0+s14+$0x0], $0xffff;
	_ =	sdelay $0x4  }
0x41: {  	[tilespmem:s20+$0xFFFFFE20] =	vst v0  }
0x42: {  	v0 =	vld [tilespmem:$0xB0];
	_ =	sdelay $0x7  }
0x43: {  	v0 =	vld.idx.msk [tilespmem:v0+s14+$0x0], $0xffff;
	_ =	sdelay $0x4  }
0x44: {  	[tilespmem:s20+$0xFFFFFE30] =	vst v0  }
0x45: {  	v0 =	vld [tilespmem:$0xC0];
	_ =	sdelay $0x7  }
0x46: {  	v0 =	vld.idx.msk [tilespmem:v0+s14+$0x0], $0xffff;
	_ =	sdelay $0x4  }
0x47: {  	[tilespmem:s20+$0xFFFFFE40] =	vst v0  }
0x48: {  	v0 =	vld [tilespmem:$0xD0];
	_ =	sdelay $0x7  }
0x49: {  	v0 =	vld.idx.msk [tilespmem:v0+s14+$0x0], $0xffff;
	_ =	sdelay $0x4  }
0x4a: {  	[tilespmem:s20+$0xFFFFFE50] =	vst v0  }
0x4b: {  	v0 =	vld [tilespmem:$0xE0];
	_ =	sdelay $0x7  }
0x4c: {  	v0 =	vld.idx.msk [tilespmem:v0+s14+$0x0], $0xffff;
	_ =	sdelay $0x4  }
0x4d: {  	[tilespmem:s20+$0xFFFFFE60] =	vst v0  }
0x4e: {  	v0 =	vld [tilespmem:$0xF0];
	_ =	sdelay $0x7  }
0x4f: {  	v0 =	vld.idx.msk [tilespmem:v0+s14+$0x0], $0xffff;
	_ =	sdelay $0x4  }
0x50: {  	[tilespmem:s20+$0xFFFFFE70] =	vst v0  }
0x51: {  	v0 =	vld [tilespmem:$0x100];
	_ =	sdelay $0x7  }
0x52: {  	v0 =	vld.idx.msk [tilespmem:v0+s14+$0x0], $0xffff;
	_ =	sdelay $0x4  }
0x53: {  	[tilespmem:s20+$0xFFFFFE80] =	vst v0  }
0x54: {  	v0 =	vld [tilespmem:$0x110];
	_ =	sdelay $0x7  }
0x55: {  	v0 =	vld.idx.msk [tilespmem:v0+s14+$0x0], $0xffff;
	_ =	sdelay $0x4  }
0x56: {  	[tilespmem:s20+$0xFFFFFE90] =	vst v0  }
0x57: {  	v0 =	vld [tilespmem:$0x120];
	_ =	sdelay $0x7  }
0x58: {  	v0 =	vld.idx.msk [tilespmem:v0+s14+$0x0], $0xffff;
	_ =	sdelay $0x4  }
0x59: {  	[tilespmem:s20+$0xFFFFFEA0] =	vst v0  }
0x5a: {  	v0 =	vld [tilespmem:$0x130];
	_ =	sdelay $0x7  }
0x5b: {  	v0 =	vld.idx.msk [tilespmem:v0+s14+$0x0], $0xffff;
	_ =	sdelay $0x4  }
0x5c: {  	[tilespmem:s20+$0xFFFFFEB0] =	vst v0  }
0x5d: {  	v0 =	vld [tilespmem:$0x140];
	_ =	sdelay $0x7  }
0x5e: {  	v0 =	vld.idx.msk [tilespmem:v0+s14+$0x0], $0xffff;
	_ =	sdelay $0x4  }
0x5f: {  	[tilespmem:s20+$0xFFFFFEC0] =	vst v0  }
0x60: {  	v0 =	vld [tilespmem:$0x150];
	_ =	sdelay $0x7  }
0x61: {  	v0 =	vld.idx.msk [tilespmem:v0+s14+$0x0], $0xffff;
	_ =	sdelay $0x4  }
0x62: {  	[tilespmem:s20+$0xFFFFFED0] =	vst v0  }
0x63: {  	v0 =	vld [tilespmem:$0x160];
	_ =	sdelay $0x7  }
0x64: {  	v0 =	vld.idx.msk [tilespmem:v0+s14+$0x0], $0xffff;
	_ =	sdelay $0x4  }
0x65: {  	[tilespmem:s20+$0xFFFFFEE0] =	vst v0  }
0x66: {  	v0 =	vld [tilespmem:$0x170];
	_ =	sdelay $0x7  }
0x67: {  	v0 =	vld.idx.msk [tilespmem:v0+s14+$0x0], $0xffff;
	_ =	sdelay $0x4  }
0x68: {  	[tilespmem:s20+$0xFFFFFEF0] =	vst v0  }
0x69: {  	v0 =	vld [tilespmem:$0x180];
	_ =	sdelay $0x7  }
0x6a: {  	v0 =	vld.idx.msk [tilespmem:v0+s14+$0x0], $0xffff;
	_ =	sdelay $0x4  }
0x6b: {  	[tilespmem:s20+$0xFFFFFF00] =	vst v0  }
0x6c: {  	v0 =	vld [tilespmem:$0x190];
	_ =	sdelay $0x7  }
0x6d: {  	v0 =	vld.idx.msk [tilespmem:v0+s14+$0x0], $0xffff;
	_ =	sdelay $0x4  }
0x6e: {  	[tilespmem:s20+$0xFFFFFF10] =	vst v0  }
0x6f: {  	v0 =	vld [tilespmem:$0x1A0];
	_ =	sdelay $0x7  }
0x70: {  	v0 =	vld.idx.msk [tilespmem:v0+s14+$0x0], $0xffff;
	_ =	sdelay $0x4  }
0x71: {  	[tilespmem:s20+$0xFFFFFF20] =	vst v0  }
0x72: {  	v0 =	vld [tilespmem:$0x1B0];
	_ =	sdelay $0x7  }
0x73: {  	v0 =	vld.idx.msk [tilespmem:v0+s14+$0x0], $0xffff;
	_ =	sdelay $0x4  }
0x74: {  	[tilespmem:s20+$0xFFFFFF30] =	vst v0  }
0x75: {  	v0 =	vld [tilespmem:$0x1C0];
	_ =	sdelay $0x7  }
0x76: {  	v0 =	vld.idx.msk [tilespmem:v0+s14+$0x0], $0xffff;
	_ =	sdelay $0x4  }
0x77: {  	[tilespmem:s20+$0xFFFFFF40] =	vst v0  }
0x78: {  	v0 =	vld [tilespmem:$0x1D0];
	_ =	sdelay $0x7  }
0x79: {  	v0 =	vld.idx.msk [tilespmem:v0+s14+$0x0], $0xffff;
	_ =	sdelay $0x4  }
0x7a: {  	[tilespmem:s20+$0xFFFFFF50] =	vst v0  }
0x7b: {  	v0 =	vld [tilespmem:$0x1E0];
	_ =	sdelay $0x7  }
0x7c: {  	v0 =	vld.idx.msk [tilespmem:v0+s14+$0x0], $0xffff;
	_ =	sdelay $0x4  }
0x7d: {  	[tilespmem:s20+$0xFFFFFF60] =	vst v0  }
0x7e: {  	v0 =	vld [tilespmem:$0x1F0];
	_ =	sdelay $0x7  }
0x7f: {  	v0 =	vld.idx.msk [tilespmem:v0+s14+$0x0], $0xffff;
	_ =	sdelay $0x4  }
0x80: {  	[tilespmem:s20+$0xFFFFFF70] =	vst v0  }
0x81: {  	v0 =	vld [tilespmem:$0x200];
	_ =	sdelay $0x7  }
0x82: {  	v0 =	vld.idx.msk [tilespmem:v0+s14+$0x0], $0xffff;
	_ =	sdelay $0x4  }
0x83: {  	[tilespmem:s20+$0xFFFFFF80] =	vst v0  }
0x84: {  	v0 =	vld [tilespmem:$0x210];
	_ =	sdelay $0x7  }
0x85: {  	v0 =	vld.idx.msk [tilespmem:v0+s14+$0x0], $0xffff;
	_ =	sdelay $0x4  }
0x86: {  	[tilespmem:s20+$0xFFFFFF90] =	vst v0  }
0x87: {  	v0 =	vld [tilespmem:$0x220];
	_ =	sdelay $0x7  }
0x88: {  	v0 =	vld.idx.msk [tilespmem:v0+s14+$0x0], $0xffff;
	_ =	sdelay $0x4  }
0x89: {  	[tilespmem:s20+$0xFFFFFFA0] =	vst v0  }
0x8a: {  	v0 =	vld [tilespmem:$0x230];
	_ =	sdelay $0x7  }
0x8b: {  	v0 =	vld.idx.msk [tilespmem:v0+s14+$0x0], $0xffff;
	_ =	sdelay $0x4  }
0x8c: {  	[tilespmem:s20+$0xFFFFFFB0] =	vst v0  }
0x8d: {  	v0 =	vld [tilespmem:$0x240];
	_ =	sdelay $0x7  }
0x8e: {  	v0 =	vld.idx.msk [tilespmem:v0+s14+$0x0], $0xffff;
	_ =	sdelay $0x4  }
0x8f: {  	[tilespmem:s20+$0xFFFFFFC0] =	vst v0  }
0x90: {  	v0 =	vld [tilespmem:$0x250];
	_ =	sdelay $0x7  }
0x91: {  	v0 =	vld.idx.msk [tilespmem:v0+s14+$0x0], $0xffff;
	_ =	sdelay $0x4  }
0x92: {  	[tilespmem:s20+$0xFFFFFFD0] =	vst v0  }
0x93: {  	v0 =	vld [tilespmem:$0x260];
	_ =	sdelay $0x7  }
0x94: {  	v0 =	vld.idx.msk [tilespmem:v0+s14+$0x0], $0xffff;
	_ =	sdelay $0x4  }
0x95: {  	[tilespmem:s20+$0xFFFFFFE0] =	vst v0  }
0x96: {  	v0 =	vld [tilespmem:$0x270];
	_ =	sdelay $0x4  }
0x97: {  	p0 =	seq.s32 s22, $0x14;
	s23 =	smov.u32 s22  }
0x98: {  	s23 =	simm.s32 @p0 $0x0  }
0x99: {  	s23 =	sadd.s32 s3, s23  }
0x9a: {  	s31 =	sshrl.u32 s23, $0x3;
	v0 =	vld.idx.msk [tilespmem:v0+s14+$0x0], $0xffff  }
0x9b: {  	s23 =	sshll.u32 s23, $0x7;
	s24 =	smul.u32 $0x25C00, s31  }
0x9c: {  	s23 =	sand.u32 $0x300, s23  }
0x9d: {  	s23 =	sor.u32 s23, s24  }
0x9e: {  	s23 =	sshrl.u32 s23, $0x3  }
0x9f: {  	s23 =	sadd.s32 s5, s23;
	[tilespmem:s20+$0xFFFFFFF0] =	vst v0  }
0xa0: {  	[tilespmem:s14], [sflag:$0x1] =	stream.strided.gather [hbm4b:s23+s12], $0x4B80, s13, s12, $0x38;
	[tilespmem:$0xCB80] =	vst v63  }
0xa1: {  	_ =	swait.ge [sflag:s17], $0x4B80  }
0xa2: {  	[sflag:s17] =	ssyncset.done $0x0  }
0xa3: {  	[sflag:s17] =	ssyncadd.s32 $0xFFFFB480  }
0xa4: {  	v63 =	vld [tilespmem:$0x0];
	_ =	sdelay $0x7  }
0xa5: {  	v0 =	vld.idx.msk [tilespmem:v63+s15+$0x0], $0xffff;
	_ =	sdelay $0x4  }
0xa6: {  	[tilespmem:s20+$0x0] =	vst v0  }
0xa7: {  	v0 =	vld [tilespmem:$0x10];
	_ =	sdelay $0x7  }
0xa8: {  	v0 =	vld.idx.msk [tilespmem:v0+s15+$0x0], $0xffff;
	_ =	sdelay $0x4  }
0xa9: {  	[tilespmem:s20+$0x10] =	vst v0  }
0xaa: {  	v0 =	vld [tilespmem:$0x20];
	_ =	sdelay $0x7  }
0xab: {  	v0 =	vld.idx.msk [tilespmem:v0+s15+$0x0], $0xffff;
	_ =	sdelay $0x4  }
0xac: {  	[tilespmem:s20+$0x20] =	vst v0  }
0xad: {  	v0 =	vld [tilespmem:$0x30];
	_ =	sdelay $0x7  }
0xae: {  	v0 =	vld.idx.msk [tilespmem:v0+s15+$0x0], $0xffff;
	_ =	sdelay $0x4  }
0xaf: {  	[tilespmem:s20+$0x30] =	vst v0  }
0xb0: {  	v0 =	vld [tilespmem:$0x40];
	_ =	sdelay $0x7  }
0xb1: {  	v0 =	vld.idx.msk [tilespmem:v0+s15+$0x0], $0xffff;
	_ =	sdelay $0x4  }
0xb2: {  	[tilespmem:s20+$0x40] =	vst v0  }
0xb3: {  	v0 =	vld [tilespmem:$0x50];
	_ =	sdelay $0x7  }
0xb4: {  	v0 =	vld.idx.msk [tilespmem:v0+s15+$0x0], $0xffff;
	_ =	sdelay $0x4  }
0xb5: {  	[tilespmem:s20+$0x50] =	vst v0  }
0xb6: {  	v0 =	vld [tilespmem:$0x60];
	_ =	sdelay $0x7  }
0xb7: {  	v0 =	vld.idx.msk [tilespmem:v0+s15+$0x0], $0xffff;
	_ =	sdelay $0x4  }
0xb8: {  	[tilespmem:s20+$0x60] =	vst v0  }
0xb9: {  	v0 =	vld [tilespmem:$0x70];
	_ =	sdelay $0x7  }
0xba: {  	v0 =	vld.idx.msk [tilespmem:v0+s15+$0x0], $0xffff;
	_ =	sdelay $0x4  }
0xbb: {  	[tilespmem:s20+$0x70] =	vst v0  }
0xbc: {  	v0 =	vld [tilespmem:$0x80];
	_ =	sdelay $0x7  }
0xbd: {  	v0 =	vld.idx.msk [tilespmem:v0+s15+$0x0], $0xffff;
	_ =	sdelay $0x4  }
0xbe: {  	[tilespmem:s20+$0x80] =	vst v0  }
0xbf: {  	v0 =	vld [tilespmem:$0x90];
	_ =	sdelay $0x7  }
0xc0: {  	v0 =	vld.idx.msk [tilespmem:v0+s15+$0x0], $0xffff;
	_ =	sdelay $0x4  }
0xc1: {  	[tilespmem:s20+$0x90] =	vst v0  }
0xc2: {  	v0 =	vld [tilespmem:$0xA0];
	_ =	sdelay $0x7  }
0xc3: {  	v0 =	vld.idx.msk [tilespmem:v0+s15+$0x0], $0xffff;
	_ =	sdelay $0x4  }
0xc4: {  	[tilespmem:s20+$0xA0] =	vst v0  }
0xc5: {  	v0 =	vld [tilespmem:$0xB0];
	_ =	sdelay $0x7  }
0xc6: {  	v0 =	vld.idx.msk [tilespmem:v0+s15+$0x0], $0xffff;
	_ =	sdelay $0x4  }
0xc7: {  	[tilespmem:s20+$0xB0] =	vst v0  }
0xc8: {  	v0 =	vld [tilespmem:$0xC0];
	_ =	sdelay $0x7  }
0xc9: {  	v0 =	vld.idx.msk [tilespmem:v0+s15+$0x0], $0xffff;
	_ =	sdelay $0x4  }
0xca: {  	[tilespmem:s20+$0xC0] =	vst v0  }
0xcb: {  	v0 =	vld [tilespmem:$0xD0];
	_ =	sdelay $0x7  }
0xcc: {  	v0 =	vld.idx.msk [tilespmem:v0+s15+$0x0], $0xffff;
	_ =	sdelay $0x4  }
0xcd: {  	[tilespmem:s20+$0xD0] =	vst v0  }
0xce: {  	v0 =	vld [tilespmem:$0xE0];
	_ =	sdelay $0x7  }
0xcf: {  	v0 =	vld.idx.msk [tilespmem:v0+s15+$0x0], $0xffff;
	_ =	sdelay $0x4  }
0xd0: {  	[tilespmem:s20+$0xE0] =	vst v0  }
0xd1: {  	v0 =	vld [tilespmem:$0xF0];
	_ =	sdelay $0x7  }
0xd2: {  	v0 =	vld.idx.msk [tilespmem:v0+s15+$0x0], $0xffff;
	_ =	sdelay $0x4  }
0xd3: {  	[tilespmem:s20+$0xF0] =	vst v0  }
0xd4: {  	v0 =	vld [tilespmem:$0x100];
	_ =	sdelay $0x7  }
0xd5: {  	v0 =	vld.idx.msk [tilespmem:v0+s15+$0x0], $0xffff;
	_ =	sdelay $0x4  }
0xd6: {  	[tilespmem:s20+$0x100] =	vst v0  }
0xd7: {  	v0 =	vld [tilespmem:$0x110];
	_ =	sdelay $0x7  }
0xd8: {  	v0 =	vld.idx.msk [tilespmem:v0+s15+$0x0], $0xffff;
	_ =	sdelay $0x4  }
0xd9: {  	[tilespmem:s20+$0x110] =	vst v0  }
0xda: {  	v0 =	vld [tilespmem:$0x120];
	_ =	sdelay $0x7  }
0xdb: {  	v0 =	vld.idx.msk [tilespmem:v0+s15+$0x0], $0xffff;
	_ =	sdelay $0x4  }
0xdc: {  	[tilespmem:s20+$0x120] =	vst v0  }
0xdd: {  	v0 =	vld [tilespmem:$0x130];
	_ =	sdelay $0x7  }
0xde: {  	v0 =	vld.idx.msk [tilespmem:v0+s15+$0x0], $0xffff;
	_ =	sdelay $0x4  }
0xdf: {  	[tilespmem:s20+$0x130] =	vst v0  }
0xe0: {  	v0 =	vld [tilespmem:$0x140];
	_ =	sdelay $0x7  }
0xe1: {  	v0 =	vld.idx.msk [tilespmem:v0+s15+$0x0], $0xffff;
	_ =	sdelay $0x4  }
0xe2: {  	[tilespmem:s20+$0x140] =	vst v0  }
0xe3: {  	v0 =	vld [tilespmem:$0x150];
	_ =	sdelay $0x7  }
0xe4: {  	v0 =	vld.idx.msk [tilespmem:v0+s15+$0x0], $0xffff;
	_ =	sdelay $0x4  }
0xe5: {  	[tilespmem:s20+$0x150] =	vst v0  }
0xe6: {  	v0 =	vld [tilespmem:$0x160];
	_ =	sdelay $0x7  }
0xe7: {  	v0 =	vld.idx.msk [tilespmem:v0+s15+$0x0], $0xffff;
	_ =	sdelay $0x4  }
0xe8: {  	[tilespmem:s20+$0x160] =	vst v0  }
0xe9: {  	v0 =	vld [tilespmem:$0x170];
	_ =	sdelay $0x7  }
0xea: {  	v0 =	vld.idx.msk [tilespmem:v0+s15+$0x0], $0xffff;
	_ =	sdelay $0x4  }
0xeb: {  	[tilespmem:s20+$0x170] =	vst v0  }
0xec: {  	v0 =	vld [tilespmem:$0x180];
	_ =	sdelay $0x7  }
0xed: {  	v0 =	vld.idx.msk [tilespmem:v0+s15+$0x0], $0xffff;
	_ =	sdelay $0x4  }
0xee: {  	[tilespmem:s20+$0x180] =	vst v0  }
0xef: {  	v0 =	vld [tilespmem:$0x190];
	_ =	sdelay $0x7  }
0xf0: {  	v0 =	vld.idx.msk [tilespmem:v0+s15+$0x0], $0xffff;
	_ =	sdelay $0x4  }
0xf1: {  	[tilespmem:s20+$0x190] =	vst v0  }
0xf2: {  	v0 =	vld [tilespmem:$0x1A0];
	_ =	sdelay $0x7  }
0xf3: {  	v0 =	vld.idx.msk [tilespmem:v0+s15+$0x0], $0xffff;
	_ =	sdelay $0x4  }
0xf4: {  	[tilespmem:s20+$0x1A0] =	vst v0  }
0xf5: {  	v0 =	vld [tilespmem:$0x1B0];
	_ =	sdelay $0x7  }
0xf6: {  	v0 =	vld.idx.msk [tilespmem:v0+s15+$0x0], $0xffff;
	_ =	sdelay $0x4  }
0xf7: {  	[tilespmem:s20+$0x1B0] =	vst v0  }
0xf8: {  	v0 =	vld [tilespmem:$0x1C0];
	_ =	sdelay $0x7  }
0xf9: {  	v0 =	vld.idx.msk [tilespmem:v0+s15+$0x0], $0xffff;
	_ =	sdelay $0x4  }
0xfa: {  	[tilespmem:s20+$0x1C0] =	vst v0  }
0xfb: {  	v0 =	vld [tilespmem:$0x1D0];
	_ =	sdelay $0x7  }
0xfc: {  	v0 =	vld.idx.msk [tilespmem:v0+s15+$0x0], $0xffff;
	_ =	sdelay $0x4  }
0xfd: {  	[tilespmem:s20+$0x1D0] =	vst v0  }
0xfe: {  	v0 =	vld [tilespmem:$0x1E0];
	_ =	sdelay $0x7  }
0xff: {  	v0 =	vld.idx.msk [tilespmem:v0+s15+$0x0], $0xffff;
	_ =	sdelay $0x4  }
0x100: {  	[tilespmem:s20+$0x1E0] =	vst v0  }
0x101: {  	v0 =	vld [tilespmem:$0x1F0];
	_ =	sdelay $0x7  }
0x102: {  	v0 =	vld.idx.msk [tilespmem:v0+s15+$0x0], $0xffff;
	_ =	sdelay $0x4  }
0x103: {  	[tilespmem:s20+$0x1F0] =	vst v0  }
0x104: {  	v0 =	vld [tilespmem:$0x200];
	_ =	sdelay $0x7  }
0x105: {  	v0 =	vld.idx.msk [tilespmem:v0+s15+$0x0], $0xffff;
	_ =	sdelay $0x4  }
0x106: {  	[tilespmem:s20+$0x200] =	vst v0  }
0x107: {  	v0 =	vld [tilespmem:$0x210];
	_ =	sdelay $0x7  }
0x108: {  	v0 =	vld.idx.msk [tilespmem:v0+s15+$0x0], $0xffff;
	_ =	sdelay $0x4  }
0x109: {  	[tilespmem:s20+$0x210] =	vst v0  }
0x10a: {  	v0 =	vld [tilespmem:$0x220];
	_ =	sdelay $0x7  }
0x10b: {  	v0 =	vld.idx.msk [tilespmem:v0+s15+$0x0], $0xffff;
	_ =	sdelay $0x4  }
0x10c: {  	[tilespmem:s20+$0x220] =	vst v0  }
0x10d: {  	v0 =	vld [tilespmem:$0x230];
	_ =	sdelay $0x7  }
0x10e: {  	v0 =	vld.idx.msk [tilespmem:v0+s15+$0x0], $0xffff;
	_ =	sdelay $0x4  }
0x10f: {  	[tilespmem:s20+$0x230] =	vst v0  }
0x110: {  	v0 =	vld [tilespmem:$0x240];
	_ =	sdelay $0x7  }
0x111: {  	v0 =	vld.idx.msk [tilespmem:v0+s15+$0x0], $0xffff;
	_ =	sdelay $0x4  }
0x112: {  	[tilespmem:s20+$0x240] =	vst v0  }
0x113: {  	v0 =	vld [tilespmem:$0x250];
	_ =	sdelay $0x7  }
0x114: {  	v0 =	vld.idx.msk [tilespmem:v0+s15+$0x0], $0xffff;
	_ =	sdelay $0x4  }
0x115: {  	[tilespmem:s20+$0x250] =	vst v0  }
0x116: {  	v0 =	vld [tilespmem:$0x260];
	_ =	sdelay $0x7  }
0x117: {  	v0 =	vld.idx.msk [tilespmem:v0+s15+$0x0], $0xffff;
	_ =	sdelay $0x4  }
0x118: {  	[tilespmem:s20+$0x260] =	vst v0  }
0x119: {  	v0 =	vld [tilespmem:$0x270];
	_ =	sdelay $0x7  }
0x11a: {  	p0 =	sne.s32 s22, $0x14;
	v0 =	vld.idx.msk [tilespmem:v0+s15+$0x0], $0xffff  }
.Ltmp0:
0x11b: {  	_ = 	snop;
	(pc) =	sbr.rel @p0 .LBB2_2-.Ltmp0, $2  }
0x11c: {  	_ =	sdelay $0x2  }
0x11d: {  	s21 =	sadd.s32 $0x100, s21;
	s22 =	sadd.s32 $0x2, s22;
	[tilespmem:s20+$0x270] =	vst v0;
	s20 =	sadd.s32 $0x500, s20  }
0x11e: {  	_ =	swait.ge [sflag:s16], $0x4B80;
	s19 =	sadd.s32 $0x1, s19  }
0x11f: {  	[sflag:s16] =	ssyncset.done $0x0;
	p0 =	sne.s32 s19, s8  }
.Ltmp1:
0x120: {  	[sflag:s16] =	ssyncadd.s32 $0xFFFFB480;
	(pc) =	sbr.rel @p0 .LBB2_1-.Ltmp1, $4  }
0x121: {  	[hbm4b:s7+s4] =	stream.linear.scatter [tilespmem:s18], [sflag:$0x3], $0x3200, $0x38;
	[tilespmem:$0xCB80] =	vst v63  }
0x122: {  	_ =	swait.ge [sflag:s11], $0x3200  }
0x123: {  	[sflag:s11] =	ssyncset.done $0x0  }
0x124: {  	[sflag:s11] =	ssyncadd.s32 $0xFFFFCE00  }
0x125: {  	_ =	sfence.sel $0x180000  }
0x126: {  	[bflag:$0x0] =	sbarrier.arrive $0xFFFF  }
0x127: {  	p0 =	sne.s32 s0, $0x0;
	_ =	strace $0x9000004A  }
0x128: {  	s0 =	sadd.s32 @!p0 $0x100000, s1;
	[bflag:$0x2] =	sbarrier.arrive $0xFFFF  }
0x129: {  	[sflag:s0] =	ssyncadd.tile.s32 @!p0 $0x1;
	_ =	shalt  }
.Lfunc_end2:
_tile_overlayer_lowered:
.L_overlay_start_2:
0x12a: {  	(tag) =	ssettag $0x2  }
0x12b: {  	s0 =	rddreg [dreg:$0x0];
	s2 =	stileid.u32  }
0x12c: {  	s1 =	rddreg [dreg:$0x1];
	p0 =	sne.s32 s2, $0x0  }
0x12d: {  	s3 =	rddreg [dreg:$0x2];
	[bflag:$0x3] =	sbarrier.arrive $0xFFFF;
	s2 =	simm.s32 @!p0 $0x1C03  }
0x12e: {  	[timem:s3], [sflag:s2] =	dma.local @!p0 [hbm:s0], s1  }
0x12f: {  	s0 =	simm.s32 @!p0 $0x3  }
0x130: {  	_ =	swait.ge @!p0 [sflag:s0], s1  }
0x131: {  	s1 =	ssub.s32 @!p0 $0x0, s1;
	[sflag:s0] =	ssyncset.done @!p0 $0x0  }
0x132: {  	[sflag:s0] =	ssyncadd.s32 @!p0 s1  }
0x133: {  	[bflag:$0x3] =	sbarrier.arrive $0xFFFF  }
0x134: {  	_ =	shalt  }

// kernel: sparse-core-data-format-call.cloned.1.call-start
scs
called_computation_lowered:
.L_overlay_start_0:
0x0: {  	s1 =	sld [smem:$0x3FD9]  }
0x1: {  	s2 =	sld [smem:$0x3FFE];
	_ =	sdelay $0x1  }
0x2: {  	s3 =	srdreg.scid  }
0x3: {  	s0 =	sand.u32 $0x1, s3  }
0x4: {  	s17 =	sshll.u32 s0, $0xA;
	s1 =	sadd.s32 s2, s1  }
0x5: {  	s1 =	sadd.s32 s1, s17  }
0x6: {  	[smem:$0x3FC5] =	sst s1  }
0x7: {  	_ = 	snop  }
0x8: {  	(tm) =	ssettm $0x1  }
0x9: {  	s18 =	sld [smem:$0x3FFB];
	_ =	sdelay $0x3  }
0xa: {  	_ =	strace s18  }
0xb: {  	s1 =	sld [smem:$0x3FFC];
	_ =	sdelay $0x3  }
0xc: {  	_ =	strace s1  }
0xd: {  	s1 =	sld [smem:$0x3FFD];
	_ =	sdelay $0x3  }
0xe: {  	_ =	strace s1  }
0xf: {  	_ =	strace $0x8FFFFFFF  }
0x10: {  	s19 =	sld [smem:$0x3FDB];
	_ =	sdelay $0x1  }
0x11: {  	s20 =	simm.s32 $_scs_section_size  }
0x12: {  	s4 =	simm.s32 $_size__tile_overlayer_lowered;
	s5 =	simm.s32 $_tile_overlayer_lowered  }
0x13: {  	s23 =	simm.s32 $0x1BFF;
	s22 =	sshll.u32 s5, $0x1;
	s1 =	sadd.s32 s20, s19  }
0x14: {  	s6 =	simm.s32 $0x0;
	s21 =	sshll.u32 s4, $0x1;
	s4 =	sadd.s32 s22, s1  }
0x15: {  	[timem:s6], [sflag:s23] =	dma.local [hbm:s4], s21  }
0x16: {  	_ =	swait.ge [sflag:s23], s21  }
0x17: {  	s2 =	ssub.s32 $0x0, s21;
	[sflag:s23] =	ssyncset.done $0x0  }
0x18: {  	[sflag:s23] =	ssyncadd.s32 s2;
	_ =	sdelay $0x1  }
0x19: {  	s24 =	simm.s32 $0x1B8B  }
0x1a: {  	_ =	swait.ge [sflag:s24], $0x1  }
0x1b: {  	[sflag:s24] =	ssyncset.done $0x0  }
0x1c: {  	s26 =	simm.s32 $0x1B8E;
	s25 =	sld [smem:$0x3FFE];
	[sflag:s24] =	ssyncadd.s32 $0xFFFFFFFF  }
0x1d: {  	s27 =	simm.s32 $execute0_lowered;
	[smem:$0x3FD2] =	sst s26  }
0x1e: {  	s4 =	sshll.u32 s27, $0x1;
	_ =	strace $0x80000046;
	[dreg:$0x1] =	wrdreg $0xFFFFFFFF  }
0x1f: {  	s28 =	simm.s32 $_size_execute0_lowered;
	s1 =	sadd.s32 s1, s4;
	[dreg:$0x0] =	wrdreg $0x0  }
0x20: {  	s4 =	sshll.u32 s28, $0x1;
	[dreg:$0x2] =	wrdreg s1  }
0x21: {  	[dreg:$0x3] =	wrdreg s4  }
0x22: {  	[dreg:$0x4] =	wrdreg $0xC0  }
0x23: {  	_ =	task [dreg:s6], $0x5FFFF  }
0x24: {  	[dreg:$0x1] =	wrdreg $0xFFFFFFFF  }
0x25: {  	[dreg:$0x0] =	wrdreg $0x60  }
0x26: {  	[dreg:$0x2] =	wrdreg s25  }
0x27: {  	[dreg:$0x3] =	wrdreg $0x9  }
0x28: {  	_ =	task.clear_ibuf [dreg:s6], $0x4FFFF;
	_ =	strace $0x90000046  }
0x29: {  	s29 =	simm.s32 $0x9;
	_ =	strace $0x80000048  }
0x2a: {  	_ =	swait.ge [sflag:s29], $0x1  }
0x2b: {  	[sflag:s29] =	ssyncadd.s32 $0xFFFFFFFF  }
0x2c: {  	_ =	strace $0x90000048  }
0x2d: {  	_ =	sfence  }
0x2e: {  	s30 =	sld [smem:$0x0];
	_ =	sdelay $0x2  }
0x2f: {  	s31 =	sshll.u32 s3, $0xD;
	s3 =	sshrl.u32 s3, $0x2  }
0x30: {  	s2 =	sand.u32 $0x4000, s31;
	s1 =	sadd.s32 s3, s30  }
0x31: {  	s0 =	sor.u32 s2, s0;
	s1 =	sshll.u32 s1, $0x11  }
0x32: {  	s0 =	sor.u32 s1, s0  }
0x33: {  	s0 =	sadd.s32 $0x8F2B, s0  }
0x34: {  	[sflag:s0] =	ssyncadd.remote.s32 $0x1  }
0x35: {  	_ =	sfence.sel $0xFFFF  }
0x36: {  	[dreg:$0x0] =	wrdreg $0xFFFFFFFF;
	(pc) =	sbr.abs _section_cstart, $3  }
0x37: {  	[dreg:$0x1] =	wrdreg $0xFFFFFFFF  }
0x38: {  	_ =	task.clear_ibuf [dreg:s6], $0x2FFFF;
	_ =	strace $0x9FFFFFFF  }
0x39: {  	(tm) =	ssettm $0x7FFFFFFF  }
tec
execute0_lowered:
.L_overlay_start_1:
0x0: {  	(tag) =	ssettag $0x1  }
0x1: {  	s0 =	srdreg.scid;
	s6 =	rddreg [dreg:$0x0]  }
0x2: {  	s7 =	simm.s32 $0x2;
	s15 =	simm.s32 $0x0;
	s8 =	simm.s32 $0x400  }
0x3: {  	s9 =	simm.s32 $0x25C00;
	s10 =	simm.s32 $0x0;
	s1 =	sshll.u32 s0, $0x4  }
0x4: {  	s16 =	simm.s32 $0x0;
	s0 =	stileid.u32;
	s1 =	sand.u32 $0x10, s1  }
0x5: {  	s17 =	simm.s32 $0x0;
	s12 =	simm.s32 $0x0;
	s2 =	sor.u32 s0, s1  }
.Ltmp0:
0x6: {  	s13 =	simm.s32 $0x0;
	s3 =	ssub.s32 $0xB6, s2;
	(pc) =	sbr.rel .LBB1_1-.Ltmp0, $4  }
0x7: {  	s14 =	simm.s32 $0x0;
	s1 =	rddreg [dreg:$0x1];
	s4 =	sshrl.u32 s3, $0x5  }
0x8: {  	_ =	strace $0x80000047;
	s3 =	simm.s32 $0x1;
	s4 =	smul.u32 $0x5, s4  }
0x9: {  	s5 =	sadd.s32 $0x2000, s6;
	s6 =	sadd.s32 $0x17E000, s6;
	[sflag:s3] =	ssyncpa.u1 $0x0  }
0xa: {  	s11 =	smov.u32 s2;
	[sflag:s7] =	ssyncpa.u1 $0x0;
	s7 =	sadd.s32 $0x1, s4  }
.LBB1_7:
0xb: {  	s18 =	sadd.s32 $0x20, s11  }
0xc: {  	s15 =	sadd.s32 $0x8, s12;
	s19 =	smov.u32 s12;
	p1 =	sgt.s32 s18, $0x96  }
0xd: {  	s19 =	smov.u32 @p1 s15  }
0xe: {  	s21 =	smov.u32 s13;
	s15 =	sadd.s32 $0x10, s13;
	p2 =	sgt.s32 s19, $0x7  }
0xf: {  	s21 =	smov.u32 @p2 s15  }
0x10: {  	s18 =	smov.u32 @p1 s2;
	p1 =	sgt.s32 s21, $0x4F  }
0x11: {  	p0 =	slt.u32 s14, $0x2;
	s21 =	simm.s32 @p1 $0x0;
	p1 =	sne.s32 s14, s7  }
.Ltmp1:
0x12: {  	s20 =	simm.s32 @!p0 $0x2;
	(pc) =	sbr.rel @!p1 .LBB1_8-.Ltmp1, $4  }
0x13: {  	s16 =	smov.u32 s12;
	s17 =	smov.u32 s13;
	_ =	swait.ge @!p0 [sflag:s20], $0x4000  }
0x14: {  	s10 =	sadd.s32 $0x4000, s10;
	[sflag:s20] =	ssyncset.done @!p0 $0x0;
	s19 =	simm.s32 @p2 $0x0  }
0x15: {  	s15 =	smov.u32 s11;
	[sflag:s20] =	ssyncadd.s32 @!p0 $0xFFFFC000;
	s11 =	smov.u32 s18  }
0x16: {  	s12 =	smov.u32 s19;
	s14 =	sadd.s32 $0x1, s14;
	s13 =	smov.u32 s21  }
.LBB1_1:
0x17: {  	p0 =	sge.u32 s14, s4  }
0x18: {  	s18 =	sand.u32 @!p0 $0x1FFFFFF, s11;
	s20 =	smul.u32 @!p0 $0x4C00, s13  }
0x19: {  	s19 =	smulhi.u32 @!p0 $0x1AF286C, s18  }
0x1a: {  	s22 =	smul.u32 @!p0 $0x980, s12  }
0x1b: {  	s19 =	smul.u32 @!p0 $0x98, s19  }
0x1c: {  	s31 =	sadd.s32 $0xFFFFFFFF, s14;
	s20 =	sadd.s32 @!p0 s5, s20  }
0x1d: {  	s21 =	sxor.u32 @!p0 $0xFFFFFFFF, s14;
	s20 =	sadd.s32 @!p0 s22, s20;
	s18 =	ssub.s32 @!p0 s18, s19  }
0x1e: {  	s19 =	sshll.u32 @!p0 s21, $0xE;
	s21 =	simm.s32 @!p0 $0x4C00;
	s18 =	sshll.u32 @!p0 s18, $0x4  }
0x1f: {  	s19 =	sand.u32 @!p0 $0x4000, s19;
	s18 =	sadd.s32 @!p0 s18, s20;
	s20 =	simm.s32 @!p0 $0x80  }
0x20: {  	[tilespmem:s19], [sflag:$0x1] =	stream.strided.gather @!p0 [hbm4b:s18+s20], $0x4000, s21, s20, $0x38;
	[tilespmem:$0x10000] =	vst v63  }
0x21: {  	p0 =	sge.u32 s31, s4  }
.Ltmp2:
0x22: {  	_ = 	snop;
	(pc) =	sbr.rel @p0 .LBB1_7-.Ltmp2, $1  }
0x23: {  	_ =	sdelay $0x3  }
0x24: {  	s18 =	sand.u32 $0x4000, s10  }
0x25: {  	_ =	swait.ge [sflag:s3], $0x4000;
	s21 =	sshll.u32 s14, $0xE;
	s19 =	sor.u32 $0x70, s18  }
0x26: {  	s20 =	sor.u32 $0x8040, s18;
	[sflag:s3] =	ssyncset.done $0x0;
	s31 =	sand.u32 $0x4000, s21  }
0x27: {  	s21 =	simm.s32 $0x0;
	[sflag:s3] =	ssyncadd.s32 $0xFFFFC000;
	s18 =	sor.u32 $0x8000, s31  }
.LBB1_3:
0x28: {  	v1 =	vmov s19;
	_ =	sdelay $0x3  }
0x29: {  	s22 =	simm.s32 $0x0  }
0x2a: {  	v7 =	vld.idx.msk [tilespmem:v1+s22+$0x0 ss:$0x1], $0xffff  }
0x2b: {  	v0 =	vmov s20;
	v8 =	vld.idx.msk [tilespmem:v1+s22+$0xFFFFFF90 ss:$0x1], $0xffff  }
0x2c: {  	v6 =	vld.idx.msk [tilespmem:v1+s22+$0xFFFFFFA0 ss:$0x1], $0xffff  }
0x2d: {  	v5 =	vld.idx.msk [tilespmem:v1+s22+$0xFFFFFFB0 ss:$0x1], $0xffff  }
0x2e: {  	v4 =	vld.idx.msk [tilespmem:v1+s22+$0xFFFFFFC0 ss:$0x1], $0xffff  }
0x2f: {  	v2 =	vld.idx.msk [tilespmem:v1+s22+$0xFFFFFFD0 ss:$0x1], $0xffff  }
0x30: {  	v3 =	vld.idx.msk [tilespmem:v1+s22+$0xFFFFFFE0 ss:$0x1], $0xffff;
	[tilespmem:v0+s22+$0x30 ss:$0x1] =	vst.idx.msk $0xffff, v7  }
0x31: {  	s23 =	simm.s32 $0x80;
	s24 =	simm.s32 $0x400;
	[tilespmem:v0+s22+$0xFFFFFFC0 ss:$0x1] =	vst.idx.msk $0xffff, v8;
	v7 =	vld.idx.msk [tilespmem:v1+s22+$0xFFFFFFF0 ss:$0x1], $0xffff  }
.LBB1_4:
0x32: {  	p0 =	sne.s32 s24, $0xE00;
	v8 =	vld.idx.msk [tilespmem:v1+s23+$0x0 ss:$0x1], $0xffff;
	[tilespmem:v0+s22+$0xFFFFFFD0 ss:$0x1] =	vst.idx.msk $0xffff, v6  }
0x33: {  	v9 =	vld.idx.msk [tilespmem:v1+s23+$0xFFFFFF90 ss:$0x1], $0xffff;
	[tilespmem:v0+s22+$0xFFFFFFE0 ss:$0x1] =	vst.idx.msk $0xffff, v5  }
0x34: {  	v6 =	vld.idx.msk [tilespmem:v1+s23+$0xFFFFFFA0 ss:$0x1], $0xffff;
	[tilespmem:v0+s22+$0xFFFFFFF0 ss:$0x1] =	vst.idx.msk $0xffff, v4  }
.Ltmp3:
0x35: {  	v5 =	vld.idx.msk [tilespmem:v1+s23+$0xFFFFFFB0 ss:$0x1], $0xffff;
	[tilespmem:v0+s22+$0x0 ss:$0x1] =	vst.idx.msk $0xffff, v2;
	(pc) =	sbr.rel @p0 .LBB1_4-.Ltmp3, $4  }
0x36: {  	v4 =	vld.idx.msk [tilespmem:v1+s23+$0xFFFFFFC0 ss:$0x1], $0xffff;
	[tilespmem:v0+s22+$0x10 ss:$0x1] =	vst.idx.msk $0xffff, v3  }
0x37: {  	v2 =	vld.idx.msk [tilespmem:v1+s23+$0xFFFFFFD0 ss:$0x1], $0xffff;
	[tilespmem:v0+s22+$0x20 ss:$0x1] =	vst.idx.msk $0xffff, v7;
	s22 =	smov.u32 s23  }
0x38: {  	v3 =	vld.idx.msk [tilespmem:v1+s22+$0xFFFFFFE0 ss:$0x1], $0xffff;
	[tilespmem:v0+s22+$0x30 ss:$0x1] =	vst.idx.msk $0xffff, v8  }
0x39: {  	s23 =	sshra.s32 s24, $0x2;
	s24 =	sadd.s32 $0x200, s24;
	[tilespmem:v0+s22+$0xFFFFFFC0 ss:$0x1] =	vst.idx.msk $0xffff, v9;
	v7 =	vld.idx.msk [tilespmem:v1+s22+$0xFFFFFFF0 ss:$0x1], $0xffff  }
0x3a: {  	_ =	sdelay $0x3  }
0x3b: {  	[tilespmem:v0+s22+$0xFFFFFFD0 ss:$0x1] =	vst.idx.msk $0xffff, v6  }
0x3c: {  	v56 =	vld.idx.msk [tilespmem:v1+s23+$0x0 ss:$0x1], $0xffff;
	[tilespmem:v0+s22+$0xFFFFFFE0 ss:$0x1] =	vst.idx.msk $0xffff, v5  }
0x3d: {  	v57 =	vld.idx.msk [tilespmem:v1+s23+$0xFFFFFF90 ss:$0x1], $0xffff;
	[tilespmem:v0+s22+$0xFFFFFFF0 ss:$0x1] =	vst.idx.msk $0xffff, v4  }
0x3e: {  	v58 =	vld.idx.msk [tilespmem:v1+s23+$0xFFFFFFA0 ss:$0x1], $0xffff;
	[tilespmem:v0+s22+$0x0 ss:$0x1] =	vst.idx.msk $0xffff, v2  }
0x3f: {  	v59 =	vld.idx.msk [tilespmem:v1+s23+$0xFFFFFFB0 ss:$0x1], $0xffff;
	[tilespmem:v0+s22+$0x10 ss:$0x1] =	vst.idx.msk $0xffff, v3  }
0x40: {  	v60 =	vld.idx.msk [tilespmem:v1+s23+$0xFFFFFFC0 ss:$0x1], $0xffff;
	[tilespmem:v0+s22+$0x20 ss:$0x1] =	vst.idx.msk $0xffff, v7  }
0x41: {  	v61 =	vld.idx.msk [tilespmem:v1+s23+$0xFFFFFFD0 ss:$0x1], $0xffff;
	[tilespmem:v0+s23+$0x30 ss:$0x1] =	vst.idx.msk $0xffff, v56  }
0x42: {  	v62 =	vld.idx.msk [tilespmem:v1+s23+$0xFFFFFFE0 ss:$0x1], $0xffff;
	s21 =	sadd.s32 $0x1, s21;
	[tilespmem:v0+s23+$0xFFFFFFC0 ss:$0x1] =	vst.idx.msk $0xffff, v57  }
0x43: {  	v63 =	vld.idx.msk [tilespmem:v1+s23+$0xFFFFFFF0 ss:$0x1], $0xffff;
	p0 =	sne.s32 s21, $0x10;
	[tilespmem:v0+s23+$0xFFFFFFD0 ss:$0x1] =	vst.idx.msk $0xffff, v58  }
.Ltmp4:
0x44: {  	[tilespmem:v0+s23+$0xFFFFFFE0 ss:$0x1] =	vst.idx.msk $0xffff, v59;
	(pc) =	sbr.rel @p0 .LBB1_3-.Ltmp4, $4  }
0x45: {  	[tilespmem:v0+s23+$0xFFFFFFF0 ss:$0x1] =	vst.idx.msk $0xffff, v60  }
0x46: {  	[tilespmem:v0+s23+$0x0 ss:$0x1] =	vst.idx.msk $0xffff, v61  }
0x47: {  	[tilespmem:v0+s23+$0x10 ss:$0x1] =	vst.idx.msk $0xffff, v62  }
0x48: {  	s19 =	sadd.s32 $0x400, s19;
	s20 =	sadd.s32 $0x400, s20;
	[tilespmem:v0+s23+$0x20 ss:$0x1] =	vst.idx.msk $0xffff, v63  }
0x49: {  	s17 =	smul.u32 $0x4B80, s17  }
.Ltmp5:
0x4a: {  	_ = 	snop;
	(pc) =	sbr.rel .LBB1_7-.Ltmp5, $4  }
0x4b: {  	s15 =	sshll.u32 s15, $0x7;
	s16 =	sshll.u32 s16, $0x4;
	s17 =	sadd.s32 s6, s17  }
0x4c: {  	s16 =	sand.u32 $0x70, s16;
	s15 =	sadd.s32 s15, s17  }
0x4d: {  	s15 =	sadd.s32 s16, s15  }
0x4e: {  	[hbm4b:s15+s8] =	stream.strided.scatter [tilespmem:s18], [sflag:$0x2], $0x4000, s9, s8, $0x38;
	[tilespmem:$0x10000] =	vst v63  }
.LBB1_8:
0x4f: {  	_ =	sfence.sel $0x180000  }
0x50: {  	s2 =	simm.s32 $0x1;
	[bflag:$0x0] =	sbarrier.arrive $0xFFFF  }
0x51: {  	s31 =	simm.s32 $0x2;
	[sflag:s2] =	ssyncpa.u1 $0x1  }
0x52: {  	[sflag:s31] =	ssyncpa.u1 $0x1  }
0x53: {  	p0 =	sne.s32 s0, $0x0;
	_ =	strace $0x90000047  }
0x54: {  	s0 =	sadd.s32 @!p0 $0x100000, s1;
	[bflag:$0x2] =	sbarrier.arrive $0xFFFF  }
0x55: {  	[sflag:s0] =	ssyncadd.tile.s32 @!p0 $0x1;
	_ =	shalt  }
.Lfunc_end1:
_tile_overlayer_lowered:
.L_overlay_start_2:
0x56: {  	(tag) =	ssettag $0x2  }
0x57: {  	s0 =	rddreg [dreg:$0x0];
	s2 =	stileid.u32  }
0x58: {  	s1 =	rddreg [dreg:$0x1];
	p0 =	sne.s32 s2, $0x0  }
0x59: {  	s3 =	rddreg [dreg:$0x2];
	[bflag:$0x3] =	sbarrier.arrive $0xFFFF;
	s2 =	simm.s32 @!p0 $0x1C01  }
0x5a: {  	[timem:s3], [sflag:s2] =	dma.local @!p0 [hbm:s0], s1  }
0x5b: {  	s0 =	simm.s32 @!p0 $0x1  }
0x5c: {  	_ =	swait.ge @!p0 [sflag:s0], s1  }
0x5d: {  	s1 =	ssub.s32 @!p0 $0x0, s1;
	[sflag:s0] =	ssyncset.done @!p0 $0x0  }
0x5e: {  	[sflag:s0] =	ssyncadd.s32 @!p0 s1  }
0x5f: {  	[bflag:$0x3] =	sbarrier.arrive $0xFFFF  }
0x60: {  	_ =	shalt  }

</sc_bundles>
